<compile_context>
chip_gen: v7x
topology: tpu7x:2x2x1
jax: 0.10.2.dev20260603
libtpu: 0.0.44.dev20260713+nightly
codegen_flags: <defaults>
</compile_context>

<pallas_src>
import functools

import numpy as np
import jax
import jax.numpy as jnp
from jax import lax
from jax.experimental import pallas as pl
from jax.experimental.pallas import tpu as pltpu
from jax.experimental.pallas import tpu_sc as plsc

D_MODEL = 768
VOCAB = 100000
BATCH = 4
SEQ = 8192

SCALE = float(np.sqrt(np.float32(D_MODEL)))

NUM_CORES = 2
NUM_SUBCORES = 16
NUM_WORKERS = NUM_CORES * NUM_SUBCORES
POS_PER_WORKER = SEQ // NUM_WORKERS
SUPER = 16
N_STEPS = POS_PER_WORKER // SUPER
LANES = 16
D_GROUPS = D_MODEL // LANES


def _sinusoidal_pe(length, d_model):
    pos = np.arange(length)[:, None].astype(np.float32)
    i = np.arange(d_model)[None, :].astype(np.float32)
    angle_rates = 1.0 / np.power(10000.0, (2.0 * (i // 2)) / np.float32(d_model))
    angles = pos * angle_rates
    pe = np.zeros((length, d_model), dtype=np.float32)
    pe[:, 0::2] = np.sin(angles[:, 0::2])
    pe[:, 1::2] = np.cos(angles[:, 1::2])
    return pe


_PE = _sinusoidal_pe(SEQ, D_MODEL)

_MESH = plsc.VectorSubcoreMesh(core_axis_name="c", subcore_axis_name="s")

_BUF = pltpu.VMEM((SUPER, D_MODEL), jnp.float32)


@functools.partial(
    pl.kernel,
    out_type=jax.ShapeDtypeStruct((BATCH, SEQ, D_MODEL), jnp.float32),
    mesh=_MESH,
    scratch_types=[
        pltpu.VMEM((BATCH, POS_PER_WORKER), jnp.int32),
        _BUF, _BUF, _BUF, _BUF,
        _BUF, _BUF, _BUF, _BUF,
        _BUF, _BUF,
        pltpu.SemaphoreType.DMA, pltpu.SemaphoreType.DMA,
        pltpu.SemaphoreType.DMA, pltpu.SemaphoreType.DMA,
        pltpu.SemaphoreType.DMA, pltpu.SemaphoreType.DMA,
        pltpu.SemaphoreType.DMA, pltpu.SemaphoreType.DMA,
        pltpu.SemaphoreType.DMA, pltpu.SemaphoreType.DMA,
    ],
)
def _emb_pe_kernel(x_hbm, table_hbm, pe_hbm, out_hbm,
                   idx_v,
                   ga0, ga1, ga2, ga3, gb0, gb1, gb2, gb3,
                   pe0, pe1,
                   sa0, sa1, sa2, sa3, sb0, sb1, sb2, sb3,
                   pf0, pf1):
    gbuf = ((ga0, ga1, ga2, ga3), (gb0, gb1, gb2, gb3))
    pebuf = (pe0, pe1)
    gsem = ((sa0, sa1, sa2, sa3), (sb0, sb1, sb2, sb3))
    fsem = (pf0, pf1)

    wid = lax.axis_index("s") * NUM_CORES + lax.axis_index("c")
    pos0 = wid * POS_PER_WORKER

    def pe_src(t):
        return pe_hbm.at[pl.ds(pos0 + t * SUPER, SUPER)]

    def gather_src(t, b):
        return table_hbm.at[idx_v.at[b, pl.ds(t * SUPER, SUPER)]]

    def out_dst(t, b):
        return out_hbm.at[b, pl.ds(pos0 + t * SUPER, SUPER)]

    def issue_f(t, q):
        pltpu.make_async_copy(pe_src(t), pebuf[q], fsem[q]).start()

    def wait_f(t, q):
        pltpu.make_async_copy(pe_src(t), pebuf[q], fsem[q]).wait()

    def issue_g(t, q, b):
        pltpu.make_async_copy(gather_src(t, b), gbuf[q][b], gsem[q][b]).start()

    def wait_g(t, q, b):
        pltpu.make_async_copy(gather_src(t, b), gbuf[q][b], gsem[q][b]).wait()

    def issue_s(t, q, b):
        pltpu.make_async_copy(gbuf[q][b], out_dst(t, b), gsem[q][b]).start()

    def wait_s(t, q, b):
        pltpu.make_async_copy(gbuf[q][b], out_dst(t, b), gsem[q][b]).wait()

    def compute(q):
        pe_v = pebuf[q]
        rows = gbuf[q]

        @plsc.parallel_loop(0, SUPER)
        def _(r):
            @plsc.parallel_loop(0, D_MODEL, step=LANES, unroll=4)
            def _(c):
                sl = pl.ds(c, LANES)
                p = pe_v[r, sl]
                for b in range(BATCH):
                    g = rows[b]
                    g[r, sl] = g[r, sl] * SCALE + p

    for b in range(BATCH):
        pltpu.make_async_copy(x_hbm.at[b, pl.ds(pos0, POS_PER_WORKER)],
                              idx_v.at[b], gsem[0][b]).start()
    issue_f(0, 0)
    for b in range(BATCH):
        pltpu.make_async_copy(x_hbm.at[b, pl.ds(pos0, POS_PER_WORKER)],
                              idx_v.at[b], gsem[0][b]).wait()
    for b in range(BATCH):
        issue_g(0, 0, b)

    def sub_step(t, q):
        wait_f(t, q)

        @pl.when(t < N_STEPS - 1)
        def _():
            issue_f(t + 1, 1 - q)
        for b in range(BATCH):
            wait_g(t, q, b)
        @pl.when(t > 0)
        def _():
            for b in range(BATCH):
                wait_s(t - 1, 1 - q, b)

        @pl.when(t < N_STEPS - 1)
        def _():
            for b in range(BATCH):
                issue_g(t + 1, 1 - q, b)
        compute(q)
        for b in range(BATCH):
            issue_s(t, q, b)

    def pair_body(j, carry):
        sub_step(2 * j, 0)
        sub_step(2 * j + 1, 1)
        return carry

    lax.fori_loop(0, N_STEPS // 2, pair_body, 0)

    for b in range(BATCH):
        wait_s(N_STEPS - 1, (N_STEPS - 1) % 2, b)


def kernel(x, table):
    pe = jnp.asarray(_PE)
    return _emb_pe_kernel(x.astype(jnp.int32), table, pe)

# --- scband reference (transcript-rebuilt; emitter-appended) ---
"""Pipeline reference for scband-text-sampling-63075889709252 (READ-ONLY COPY).

The authoritative reference and input builder live on the scoring server;
editing this copy changes nothing except your own understanding.
"""

import jax, jax.numpy as jnp
import numpy as np

D_MODEL = 768
VOCAB = 100000
BATCH = 4
SEQ = 8192

def _positional_encoding(length, d_model):
    pos = np.arange(length)[:, None].astype(np.float32)
    i = np.arange(d_model)[None, :].astype(np.float32)
    angle_rates = 1.0 / np.power(10000.0, (2.0 * (i // 2)) / np.float32(d_model))
    angles = pos * angle_rates
    pe = np.zeros((length, d_model), dtype=np.float32)
    pe[:, 0::2] = np.sin(angles[:, 0::2])
    pe[:, 1::2] = np.cos(angles[:, 1::2])
    return jnp.asarray(pe)

def setup_inputs(seed: int = 0):
    key = jax.random.key(seed)
    k1, k2 = jax.random.split(key)
    x = jax.random.randint(k1, (BATCH, SEQ), 0, VOCAB)
    table = jax.random.normal(k2, (VOCAB, D_MODEL), dtype=jnp.float32) * 0.02
    return {"x": x, "table": table}

def reference(x, table):
    # embedding lookup (gather)
    emb = jnp.take(table, x, axis=0)
    # scale by sqrt(d_model)
    emb = emb * jnp.sqrt(jnp.float32(D_MODEL))
    # add sinusoidal positional encoding over the sequence dimension
    pe = _positional_encoding(SEQ, D_MODEL)
    out = emb + pe[None, :, :]
    return out

if __name__ == "__main__":
    import jax
    _d = setup_inputs()
    print(jax.jit(kernel)(*tuple(_d.values())))

</pallas_src>

<mosaic_0001>
#map = affine_map<(d0, d1) -> (0, 0)>
#map1 = affine_map<(d0, d1) -> (0, 0, 0)>
module attributes {stable_mosaic.version = 14 : i64} {
  func.func @_emb_pe_kernel(%arg0: i32, %arg1: i32, %arg2: memref<4x8192xi32, #tpu.memory_space<hbm>>, %arg3: memref<100000x768xf32, #tpu.memory_space<hbm>>, %arg4: memref<8192x768xf32, #tpu.memory_space<hbm>>, %arg5: memref<4x8192x768xf32, #tpu.memory_space<hbm>>, %arg6: memref<4x256xi32, #tpu.memory_space<vmem>>, %arg7: memref<16x768xf32, #tpu.memory_space<vmem>>, %arg8: memref<16x768xf32, #tpu.memory_space<vmem>>, %arg9: memref<16x768xf32, #tpu.memory_space<vmem>>, %arg10: memref<16x768xf32, #tpu.memory_space<vmem>>, %arg11: memref<16x768xf32, #tpu.memory_space<vmem>>, %arg12: memref<16x768xf32, #tpu.memory_space<vmem>>, %arg13: memref<16x768xf32, #tpu.memory_space<vmem>>, %arg14: memref<16x768xf32, #tpu.memory_space<vmem>>, %arg15: memref<16x768xf32, #tpu.memory_space<vmem>>, %arg16: memref<16x768xf32, #tpu.memory_space<vmem>>, %arg17: memref<!tpu.dma_semaphore, #tpu.memory_space<semaphore_mem>>, %arg18: memref<!tpu.dma_semaphore, #tpu.memory_space<semaphore_mem>>, %arg19: memref<!tpu.dma_semaphore, #tpu.memory_space<semaphore_mem>>, %arg20: memref<!tpu.dma_semaphore, #tpu.memory_space<semaphore_mem>>, %arg21: memref<!tpu.dma_semaphore, #tpu.memory_space<semaphore_mem>>, %arg22: memref<!tpu.dma_semaphore, #tpu.memory_space<semaphore_mem>>, %arg23: memref<!tpu.dma_semaphore, #tpu.memory_space<semaphore_mem>>, %arg24: memref<!tpu.dma_semaphore, #tpu.memory_space<semaphore_mem>>, %arg25: memref<!tpu.dma_semaphore, #tpu.memory_space<semaphore_mem>>, %arg26: memref<!tpu.dma_semaphore, #tpu.memory_space<semaphore_mem>>) attributes {dimension_semantics = [#tpu.dimension_semantics<core_parallel>, #tpu.dimension_semantics<subcore_parallel>], iteration_bounds = array<i64: 2, 16>, scalar_prefetch = 0 : i64, scratch_operands = 21 : i64, tpu.core_type = #tpu.core_type<sc_vector_subcore>, window_params = [{transform_indices = #map}, {transform_indices = #map}, {transform_indices = #map}, {transform_indices = #map1}]} {
    %mul3A = arith.constant 2 : i32
    %mul3A_0 = arith.muli %arg1, %mul3A : i32
    %add3A = arith.addi %mul3A_0, %arg0 : i32
    %mul3A_1 = arith.constant 256 : i32
    %mul3A_2 = arith.muli %add3A, %mul3A_1 : i32
    %dma_start3A = arith.constant 0 : i32
    %dma_start3A_3 = arith.constant 0 : i32
    %dma_start3A_4 = arith.constant 0 : i32
    %dma_start3A_5 = tpu.memref_slice %arg6[%dma_start3A_3, %dma_start3A_4] : memref<4x256xi32, #tpu.memory_space<vmem>> -> memref<1x256xi32, #tpu.memory_space<vmem>>
    %dma_start3A_6 = tpu.memref_squeeze %dma_start3A_5 : memref<1x256xi32, #tpu.memory_space<vmem>> -> memref<256xi32, #tpu.memory_space<vmem>>
    %dma_start3A_7 = tpu.memref_slice %arg2[%dma_start3A, %mul3A_2] : memref<4x8192xi32, #tpu.memory_space<hbm>> -> memref<1x256xi32, #tpu.memory_space<hbm>>
    %dma_start3A_8 = tpu.memref_squeeze %dma_start3A_7 : memref<1x256xi32, #tpu.memory_space<hbm>> -> memref<256xi32, #tpu.memory_space<hbm>>
    %dma_start3A_9 = arith.constant 0 : i32
    %dma_start3A_10 = tpu.memref_slice %arg6[%dma_start3A_3, %dma_start3A_9] : memref<4x256xi32, #tpu.memory_space<vmem>> -> memref<1x256xi32, #tpu.memory_space<vmem>>
    %dma_start3A_11 = tpu.memref_squeeze %dma_start3A_10 : memref<1x256xi32, #tpu.memory_space<vmem>> -> memref<256xi32, #tpu.memory_space<vmem>>
    %dma_start3A_12 = tpu.memref_slice %arg2[%dma_start3A, %mul3A_2] : memref<4x8192xi32, #tpu.memory_space<hbm>> -> memref<1x256xi32, #tpu.memory_space<hbm>>
    %dma_start3A_13 = tpu.memref_squeeze %dma_start3A_12 : memref<1x256xi32, #tpu.memory_space<hbm>> -> memref<256xi32, #tpu.memory_space<hbm>>
    tpu.enqueue_dma source(%dma_start3A_13 : memref<256xi32, #tpu.memory_space<hbm>>) target(%dma_start3A_11 : memref<256xi32, #tpu.memory_space<vmem>>) target_semaphore(%arg17 : memref<!tpu.dma_semaphore, #tpu.memory_space<semaphore_mem>>)
    %dma_start3A_14 = arith.constant 1 : i32
    %dma_start3A_15 = arith.constant 1 : i32
    %dma_start3A_16 = arith.constant 0 : i32
    %dma_start3A_17 = tpu.memref_slice %arg6[%dma_start3A_15, %dma_start3A_16] : memref<4x256xi32, #tpu.memory_space<vmem>> -> memref<1x256xi32, #tpu.memory_space<vmem>>
    %dma_start3A_18 = tpu.memref_squeeze %dma_start3A_17 : memref<1x256xi32, #tpu.memory_space<vmem>> -> memref<256xi32, #tpu.memory_space<vmem>>
    %dma_start3A_19 = tpu.memref_slice %arg2[%dma_start3A_14, %mul3A_2] : memref<4x8192xi32, #tpu.memory_space<hbm>> -> memref<1x256xi32, #tpu.memory_space<hbm>>
    %dma_start3A_20 = tpu.memref_squeeze %dma_start3A_19 : memref<1x256xi32, #tpu.memory_space<hbm>> -> memref<256xi32, #tpu.memory_space<hbm>>
    %dma_start3A_21 = arith.constant 0 : i32
    %dma_start3A_22 = tpu.memref_slice %arg6[%dma_start3A_15, %dma_start3A_21] : memref<4x256xi32, #tpu.memory_space<vmem>> -> memref<1x256xi32, #tpu.memory_space<vmem>>
    %dma_start3A_23 = tpu.memref_squeeze %dma_start3A_22 : memref<1x256xi32, #tpu.memory_space<vmem>> -> memref<256xi32, #tpu.memory_space<vmem>>
    %dma_start3A_24 = tpu.memref_slice %arg2[%dma_start3A_14, %mul3A_2] : memref<4x8192xi32, #tpu.memory_space<hbm>> -> memref<1x256xi32, #tpu.memory_space<hbm>>
    %dma_start3A_25 = tpu.memref_squeeze %dma_start3A_24 : memref<1x256xi32, #tpu.memory_space<hbm>> -> memref<256xi32, #tpu.memory_space<hbm>>
    tpu.enqueue_dma source(%dma_start3A_25 : memref<256xi32, #tpu.memory_space<hbm>>) target(%dma_start3A_23 : memref<256xi32, #tpu.memory_space<vmem>>) target_semaphore(%arg18 : memref<!tpu.dma_semaphore, #tpu.memory_space<semaphore_mem>>)
    %dma_start3A_26 = arith.constant 2 : i32
    %dma_start3A_27 = arith.constant 2 : i32
    %dma_start3A_28 = arith.constant 0 : i32
    %dma_start3A_29 = tpu.memref_slice %arg6[%dma_start3A_27, %dma_start3A_28] : memref<4x256xi32, #tpu.memory_space<vmem>> -> memref<1x256xi32, #tpu.memory_space<vmem>>
    %dma_start3A_30 = tpu.memref_squeeze %dma_start3A_29 : memref<1x256xi32, #tpu.memory_space<vmem>> -> memref<256xi32, #tpu.memory_space<vmem>>
    %dma_start3A_31 = tpu.memref_slice %arg2[%dma_start3A_26, %mul3A_2] : memref<4x8192xi32, #tpu.memory_space<hbm>> -> memref<1x256xi32, #tpu.memory_space<hbm>>
    %dma_start3A_32 = tpu.memref_squeeze %dma_start3A_31 : memref<1x256xi32, #tpu.memory_space<hbm>> -> memref<256xi32, #tpu.memory_space<hbm>>
    %dma_start3A_33 = arith.constant 0 : i32
    %dma_start3A_34 = tpu.memref_slice %arg6[%dma_start3A_27, %dma_start3A_33] : memref<4x256xi32, #tpu.memory_space<vmem>> -> memref<1x256xi32, #tpu.memory_space<vmem>>
    %dma_start3A_35 = tpu.memref_squeeze %dma_start3A_34 : memref<1x256xi32, #tpu.memory_space<vmem>> -> memref<256xi32, #tpu.memory_space<vmem>>
    %dma_start3A_36 = tpu.memref_slice %arg2[%dma_start3A_26, %mul3A_2] : memref<4x8192xi32, #tpu.memory_space<hbm>> -> memref<1x256xi32, #tpu.memory_space<hbm>>
    %dma_start3A_37 = tpu.memref_squeeze %dma_start3A_36 : memref<1x256xi32, #tpu.memory_space<hbm>> -> memref<256xi32, #tpu.memory_space<hbm>>
    tpu.enqueue_dma source(%dma_start3A_37 : memref<256xi32, #tpu.memory_space<hbm>>) target(%dma_start3A_35 : memref<256xi32, #tpu.memory_space<vmem>>) target_semaphore(%arg19 : memref<!tpu.dma_semaphore, #tpu.memory_space<semaphore_mem>>)
    %dma_start3A_38 = arith.constant 3 : i32
    %dma_start3A_39 = arith.constant 3 : i32
    %dma_start3A_40 = arith.constant 0 : i32
    %dma_start3A_41 = tpu.memref_slice %arg6[%dma_start3A_39, %dma_start3A_40] : memref<4x256xi32, #tpu.memory_space<vmem>> -> memref<1x256xi32, #tpu.memory_space<vmem>>
    %dma_start3A_42 = tpu.memref_squeeze %dma_start3A_41 : memref<1x256xi32, #tpu.memory_space<vmem>> -> memref<256xi32, #tpu.memory_space<vmem>>
    %dma_start3A_43 = tpu.memref_slice %arg2[%dma_start3A_38, %mul3A_2] : memref<4x8192xi32, #tpu.memory_space<hbm>> -> memref<1x256xi32, #tpu.memory_space<hbm>>
    %dma_start3A_44 = tpu.memref_squeeze %dma_start3A_43 : memref<1x256xi32, #tpu.memory_space<hbm>> -> memref<256xi32, #tpu.memory_space<hbm>>
    %dma_start3A_45 = arith.constant 0 : i32
    %dma_start3A_46 = tpu.memref_slice %arg6[%dma_start3A_39, %dma_start3A_45] : memref<4x256xi32, #tpu.memory_space<vmem>> -> memref<1x256xi32, #tpu.memory_space<vmem>>
    %dma_start3A_47 = tpu.memref_squeeze %dma_start3A_46 : memref<1x256xi32, #tpu.memory_space<vmem>> -> memref<256xi32, #tpu.memory_space<vmem>>
    %dma_start3A_48 = tpu.memref_slice %arg2[%dma_start3A_38, %mul3A_2] : memref<4x8192xi32, #tpu.memory_space<hbm>> -> memref<1x256xi32, #tpu.memory_space<hbm>>
    %dma_start3A_49 = tpu.memref_squeeze %dma_start3A_48 : memref<1x256xi32, #tpu.memory_space<hbm>> -> memref<256xi32, #tpu.memory_space<hbm>>
    tpu.enqueue_dma source(%dma_start3A_49 : memref<256xi32, #tpu.memory_space<hbm>>) target(%dma_start3A_47 : memref<256xi32, #tpu.memory_space<vmem>>) target_semaphore(%arg20 : memref<!tpu.dma_semaphore, #tpu.memory_space<semaphore_mem>>)
    %add3A_50 = arith.constant 0 : i32
    %add3A_51 = arith.addi %mul3A_2, %add3A_50 : i32
    %dma_start3A_52 = arith.constant 0 : i32
    %dma_start3A_53 = tpu.memref_slice %arg4[%add3A_51, %dma_start3A_52] : memref<8192x768xf32, #tpu.memory_space<hbm>> -> memref<16x768xf32, #tpu.memory_space<hbm>>
    %dma_start3A_54 = arith.constant 0 : i32
    %dma_start3A_55 = tpu.memref_slice %arg4[%add3A_51, %dma_start3A_54] : memref<8192x768xf32, #tpu.memory_space<hbm>> -> memref<16x768xf32, #tpu.memory_space<hbm>>
    tpu.enqueue_dma source(%dma_start3A_55 : memref<16x768xf32, #tpu.memory_space<hbm>>) target(%arg15 : memref<16x768xf32, #tpu.memory_space<vmem>>) target_semaphore(%arg25 : memref<!tpu.dma_semaphore, #tpu.memory_space<semaphore_mem>>)
    %dma_wait3A = arith.constant 0 : i32
    %dma_wait3A_56 = arith.constant 0 : i32
    %dma_wait3A_57 = arith.constant 0 : i32
    %dma_wait3A_58 = tpu.memref_slice %arg6[%dma_wait3A_56, %dma_wait3A_57] : memref<4x256xi32, #tpu.memory_space<vmem>> -> memref<1x256xi32, #tpu.memory_space<vmem>>
    %dma_wait3A_59 = tpu.memref_squeeze %dma_wait3A_58 : memref<1x256xi32, #tpu.memory_space<vmem>> -> memref<256xi32, #tpu.memory_space<vmem>>
    %dma_wait3A_60 = tpu.memref_slice %arg2[%dma_wait3A, %mul3A_2] : memref<4x8192xi32, #tpu.memory_space<hbm>> -> memref<1x256xi32, #tpu.memory_space<hbm>>
    %dma_wait3A_61 = tpu.memref_squeeze %dma_wait3A_60 : memref<1x256xi32, #tpu.memory_space<hbm>> -> memref<256xi32, #tpu.memory_space<hbm>>
    %dma_wait3A_62 = arith.constant 0 : i32
    %dma_wait3A_63 = tpu.memref_slice %arg6[%dma_wait3A_56, %dma_wait3A_62] : memref<4x256xi32, #tpu.memory_space<vmem>> -> memref<1x256xi32, #tpu.memory_space<vmem>>
    %dma_wait3A_64 = tpu.memref_squeeze %dma_wait3A_63 : memref<1x256xi32, #tpu.memory_space<vmem>> -> memref<256xi32, #tpu.memory_space<vmem>>
    %dma_wait3A_65 = tpu.memref_slice %arg2[%dma_wait3A, %mul3A_2] : memref<4x8192xi32, #tpu.memory_space<hbm>> -> memref<1x256xi32, #tpu.memory_space<hbm>>
    %dma_wait3A_66 = tpu.memref_squeeze %dma_wait3A_65 : memref<1x256xi32, #tpu.memory_space<hbm>> -> memref<256xi32, #tpu.memory_space<hbm>>
    tpu.wait_dma2 semaphore(%arg17 : memref<!tpu.dma_semaphore, #tpu.memory_space<semaphore_mem>>) src(%dma_wait3A_66 : memref<256xi32, #tpu.memory_space<hbm>>) dst(%dma_wait3A_64 : memref<256xi32, #tpu.memory_space<vmem>>)
    %dma_wait3A_67 = arith.constant 1 : i32
    %dma_wait3A_68 = arith.constant 1 : i32
    %dma_wait3A_69 = arith.constant 0 : i32
    %dma_wait3A_70 = tpu.memref_slice %arg6[%dma_wait3A_68, %dma_wait3A_69] : memref<4x256xi32, #tpu.memory_space<vmem>> -> memref<1x256xi32, #tpu.memory_space<vmem>>
    %dma_wait3A_71 = tpu.memref_squeeze %dma_wait3A_70 : memref<1x256xi32, #tpu.memory_space<vmem>> -> memref<256xi32, #tpu.memory_space<vmem>>
    %dma_wait3A_72 = tpu.memref_slice %arg2[%dma_wait3A_67, %mul3A_2] : memref<4x8192xi32, #tpu.memory_space<hbm>> -> memref<1x256xi32, #tpu.memory_space<hbm>>
    %dma_wait3A_73 = tpu.memref_squeeze %dma_wait3A_72 : memref<1x256xi32, #tpu.memory_space<hbm>> -> memref<256xi32, #tpu.memory_space<hbm>>
    %dma_wait3A_74 = arith.constant 0 : i32
    %dma_wait3A_75 = tpu.memref_slice %arg6[%dma_wait3A_68, %dma_wait3A_74] : memref<4x256xi32, #tpu.memory_space<vmem>> -> memref<1x256xi32, #tpu.memory_space<vmem>>
    %dma_wait3A_76 = tpu.memref_squeeze %dma_wait3A_75 : memref<1x256xi32, #tpu.memory_space<vmem>> -> memref<256xi32, #tpu.memory_space<vmem>>
    %dma_wait3A_77 = tpu.memref_slice %arg2[%dma_wait3A_67, %mul3A_2] : memref<4x8192xi32, #tpu.memory_space<hbm>> -> memref<1x256xi32, #tpu.memory_space<hbm>>
    %dma_wait3A_78 = tpu.memref_squeeze %dma_wait3A_77 : memref<1x256xi32, #tpu.memory_space<hbm>> -> memref<256xi32, #tpu.memory_space<hbm>>
    tpu.wait_dma2 semaphore(%arg18 : memref<!tpu.dma_semaphore, #tpu.memory_space<semaphore_mem>>) src(%dma_wait3A_78 : memref<256xi32, #tpu.memory_space<hbm>>) dst(%dma_wait3A_76 : memref<256xi32, #tpu.memory_space<vmem>>)
    %dma_wait3A_79 = arith.constant 2 : i32
    %dma_wait3A_80 = arith.constant 2 : i32
    %dma_wait3A_81 = arith.constant 0 : i32
    %dma_wait3A_82 = tpu.memref_slice %arg6[%dma_wait3A_80, %dma_wait3A_81] : memref<4x256xi32, #tpu.memory_space<vmem>> -> memref<1x256xi32, #tpu.memory_space<vmem>>
    %dma_wait3A_83 = tpu.memref_squeeze %dma_wait3A_82 : memref<1x256xi32, #tpu.memory_space<vmem>> -> memref<256xi32, #tpu.memory_space<vmem>>
    %dma_wait3A_84 = tpu.memref_slice %arg2[%dma_wait3A_79, %mul3A_2] : memref<4x8192xi32, #tpu.memory_space<hbm>> -> memref<1x256xi32, #tpu.memory_space<hbm>>
    %dma_wait3A_85 = tpu.memref_squeeze %dma_wait3A_84 : memref<1x256xi32, #tpu.memory_space<hbm>> -> memref<256xi32, #tpu.memory_space<hbm>>
    %dma_wait3A_86 = arith.constant 0 : i32
    %dma_wait3A_87 = tpu.memref_slice %arg6[%dma_wait3A_80, %dma_wait3A_86] : memref<4x256xi32, #tpu.memory_space<vmem>> -> memref<1x256xi32, #tpu.memory_space<vmem>>
    %dma_wait3A_88 = tpu.memref_squeeze %dma_wait3A_87 : memref<1x256xi32, #tpu.memory_space<vmem>> -> memref<256xi32, #tpu.memory_space<vmem>>
    %dma_wait3A_89 = tpu.memref_slice %arg2[%dma_wait3A_79, %mul3A_2] : memref<4x8192xi32, #tpu.memory_space<hbm>> -> memref<1x256xi32, #tpu.memory_space<hbm>>
    %dma_wait3A_90 = tpu.memref_squeeze %dma_wait3A_89 : memref<1x256xi32, #tpu.memory_space<hbm>> -> memref<256xi32, #tpu.memory_space<hbm>>
    tpu.wait_dma2 semaphore(%arg19 : memref<!tpu.dma_semaphore, #tpu.memory_space<semaphore_mem>>) src(%dma_wait3A_90 : memref<256xi32, #tpu.memory_space<hbm>>) dst(%dma_wait3A_88 : memref<256xi32, #tpu.memory_space<vmem>>)
    %dma_wait3A_91 = arith.constant 3 : i32
    %dma_wait3A_92 = arith.constant 3 : i32
    %dma_wait3A_93 = arith.constant 0 : i32
    %dma_wait3A_94 = tpu.memref_slice %arg6[%dma_wait3A_92, %dma_wait3A_93] : memref<4x256xi32, #tpu.memory_space<vmem>> -> memref<1x256xi32, #tpu.memory_space<vmem>>
    %dma_wait3A_95 = tpu.memref_squeeze %dma_wait3A_94 : memref<1x256xi32, #tpu.memory_space<vmem>> -> memref<256xi32, #tpu.memory_space<vmem>>
    %dma_wait3A_96 = tpu.memref_slice %arg2[%dma_wait3A_91, %mul3A_2] : memref<4x8192xi32, #tpu.memory_space<hbm>> -> memref<1x256xi32, #tpu.memory_space<hbm>>
    %dma_wait3A_97 = tpu.memref_squeeze %dma_wait3A_96 : memref<1x256xi32, #tpu.memory_space<hbm>> -> memref<256xi32, #tpu.memory_space<hbm>>
    %dma_wait3A_98 = arith.constant 0 : i32
    %dma_wait3A_99 = tpu.memref_slice %arg6[%dma_wait3A_92, %dma_wait3A_98] : memref<4x256xi32, #tpu.memory_space<vmem>> -> memref<1x256xi32, #tpu.memory_space<vmem>>
    %dma_wait3A_100 = tpu.memref_squeeze %dma_wait3A_99 : memref<1x256xi32, #tpu.memory_space<vmem>> -> memref<256xi32, #tpu.memory_space<vmem>>
    %dma_wait3A_101 = tpu.memref_slice %arg2[%dma_wait3A_91, %mul3A_2] : memref<4x8192xi32, #tpu.memory_space<hbm>> -> memref<1x256xi32, #tpu.memory_space<hbm>>
    %dma_wait3A_102 = tpu.memref_squeeze %dma_wait3A_101 : memref<1x256xi32, #tpu.memory_space<hbm>> -> memref<256xi32, #tpu.memory_space<hbm>>
    tpu.wait_dma2 semaphore(%arg20 : memref<!tpu.dma_semaphore, #tpu.memory_space<semaphore_mem>>) src(%dma_wait3A_102 : memref<256xi32, #tpu.memory_space<hbm>>) dst(%dma_wait3A_100 : memref<256xi32, #tpu.memory_space<vmem>>)
    %dma_start3A_103 = arith.constant 0 : i32
    %dma_start3A_104 = arith.constant 0 : i32
    %dma_start3A_105 = tpu.memref_slice %arg6[%dma_start3A_103, %dma_start3A_104] : memref<4x256xi32, #tpu.memory_space<vmem>> -> memref<1x16xi32, #tpu.memory_space<vmem>>
    %dma_start3A_106 = tpu.memref_squeeze %dma_start3A_105 : memref<1x16xi32, #tpu.memory_space<vmem>> -> memref<16xi32, #tpu.memory_space<vmem>>
    %dma_start3A_107 = arith.constant 0 : i32
    %dma_start3A_108 = arith.constant 0 : i32
    %dma_start3A_109 = tpu.memref_slice %arg3[%dma_start3A_107, %dma_start3A_108] : memref<100000x768xf32, #tpu.memory_space<hbm>> -> memref<100000x768xf32, #tpu.memory_space<hbm>>
    tpu.enqueue_indirect_dma source(%dma_start3A_109 : memref<100000x768xf32, #tpu.memory_space<hbm>>) target(%arg7 : memref<16x768xf32, #tpu.memory_space<vmem>>) offsets(%dma_start3A_106 : memref<16xi32, #tpu.memory_space<vmem>>) semaphore(%arg17 : memref<!tpu.dma_semaphore, #tpu.memory_space<semaphore_mem>>)
    %dma_start3A_110 = arith.constant 1 : i32
    %dma_start3A_111 = arith.constant 0 : i32
    %dma_start3A_112 = tpu.memref_slice %arg6[%dma_start3A_110, %dma_start3A_111] : memref<4x256xi32, #tpu.memory_space<vmem>> -> memref<1x16xi32, #tpu.memory_space<vmem>>
    %dma_start3A_113 = tpu.memref_squeeze %dma_start3A_112 : memref<1x16xi32, #tpu.memory_space<vmem>> -> memref<16xi32, #tpu.memory_space<vmem>>
    %dma_start3A_114 = arith.constant 0 : i32
    %dma_start3A_115 = arith.constant 0 : i32
    %dma_start3A_116 = tpu.memref_slice %arg3[%dma_start3A_114, %dma_start3A_115] : memref<100000x768xf32, #tpu.memory_space<hbm>> -> memref<100000x768xf32, #tpu.memory_space<hbm>>
    tpu.enqueue_indirect_dma source(%dma_start3A_116 : memref<100000x768xf32, #tpu.memory_space<hbm>>) target(%arg8 : memref<16x768xf32, #tpu.memory_space<vmem>>) offsets(%dma_start3A_113 : memref<16xi32, #tpu.memory_space<vmem>>) semaphore(%arg18 : memref<!tpu.dma_semaphore, #tpu.memory_space<semaphore_mem>>)
    %dma_start3A_117 = arith.constant 2 : i32
    %dma_start3A_118 = arith.constant 0 : i32
    %dma_start3A_119 = tpu.memref_slice %arg6[%dma_start3A_117, %dma_start3A_118] : memref<4x256xi32, #tpu.memory_space<vmem>> -> memref<1x16xi32, #tpu.memory_space<vmem>>
    %dma_start3A_120 = tpu.memref_squeeze %dma_start3A_119 : memref<1x16xi32, #tpu.memory_space<vmem>> -> memref<16xi32, #tpu.memory_space<vmem>>
    %dma_start3A_121 = arith.constant 0 : i32
    %dma_start3A_122 = arith.constant 0 : i32
    %dma_start3A_123 = tpu.memref_slice %arg3[%dma_start3A_121, %dma_start3A_122] : memref<100000x768xf32, #tpu.memory_space<hbm>> -> memref<100000x768xf32, #tpu.memory_space<hbm>>
    tpu.enqueue_indirect_dma source(%dma_start3A_123 : memref<100000x768xf32, #tpu.memory_space<hbm>>) target(%arg9 : memref<16x768xf32, #tpu.memory_space<vmem>>) offsets(%dma_start3A_120 : memref<16xi32, #tpu.memory_space<vmem>>) semaphore(%arg19 : memref<!tpu.dma_semaphore, #tpu.memory_space<semaphore_mem>>)
    %dma_start3A_124 = arith.constant 3 : i32
    %dma_start3A_125 = arith.constant 0 : i32
    %dma_start3A_126 = tpu.memref_slice %arg6[%dma_start3A_124, %dma_start3A_125] : memref<4x256xi32, #tpu.memory_space<vmem>> -> memref<1x16xi32, #tpu.memory_space<vmem>>
    %dma_start3A_127 = tpu.memref_squeeze %dma_start3A_126 : memref<1x16xi32, #tpu.memory_space<vmem>> -> memref<16xi32, #tpu.memory_space<vmem>>
    %dma_start3A_128 = arith.constant 0 : i32
    %dma_start3A_129 = arith.constant 0 : i32
    %dma_start3A_130 = tpu.memref_slice %arg3[%dma_start3A_128, %dma_start3A_129] : memref<100000x768xf32, #tpu.memory_space<hbm>> -> memref<100000x768xf32, #tpu.memory_space<hbm>>
    tpu.enqueue_indirect_dma source(%dma_start3A_130 : memref<100000x768xf32, #tpu.memory_space<hbm>>) target(%arg10 : memref<16x768xf32, #tpu.memory_space<vmem>>) offsets(%dma_start3A_127 : memref<16xi32, #tpu.memory_space<vmem>>) semaphore(%arg20 : memref<!tpu.dma_semaphore, #tpu.memory_space<semaphore_mem>>)
    %scan3A = arith.constant 0 : i32
    %scan3A_131 = arith.constant 0 : i32
    %scan3A_132 = arith.constant 8 : i32
    %scan3A_133 = arith.addi %scan3A_131, %scan3A_132 : i32
    %scan3A_134 = arith.constant 1 : i32
    scf.for %scan3A_172 = %scan3A_131 to %scan3A_133 step %scan3A_134  : i32 {
      %mul3A_173 = arith.constant 2 : i32
      %mul3A_174 = arith.muli %mul3A_173, %scan3A_172 : i32
      %mul3A_175 = arith.constant 16 : i32
      %mul3A_176 = arith.muli %mul3A_174, %mul3A_175 : i32
      %add3A_177 = arith.addi %mul3A_2, %mul3A_176 : i32
      %dma_wait3A_178 = arith.constant 0 : i32
      %dma_wait3A_179 = tpu.memref_slice %arg4[%add3A_177, %dma_wait3A_178] : memref<8192x768xf32, #tpu.memory_space<hbm>> -> memref<16x768xf32, #tpu.memory_space<hbm>>
      %dma_wait3A_180 = arith.constant 0 : i32
      %dma_wait3A_181 = tpu.memref_slice %arg4[%add3A_177, %dma_wait3A_180] : memref<8192x768xf32, #tpu.memory_space<hbm>> -> memref<16x768xf32, #tpu.memory_space<hbm>>
      tpu.wait_dma2 semaphore(%arg25 : memref<!tpu.dma_semaphore, #tpu.memory_space<semaphore_mem>>) src(%dma_wait3A_181 : memref<16x768xf32, #tpu.memory_space<hbm>>) dst(%arg15 : memref<16x768xf32, #tpu.memory_space<vmem>>)
      %lt3A = arith.constant 15 : i32
      %lt3A_182 = arith.cmpi slt, %mul3A_174, %lt3A : i32
      %convert_element_type3A = arith.extui %lt3A_182 : i1 to i32
      %cond3A = arith.constant 0 : i32
      %cond3A_183 = arith.cmpi ne, %convert_element_type3A, %cond3A : i32
      scf.if %cond3A_183 {
        %add3A_368 = arith.constant 1 : i32
        %add3A_369 = arith.addi %mul3A_174, %add3A_368 : i32
        %mul3A_370 = arith.constant 16 : i32
        %mul3A_371 = arith.muli %add3A_369, %mul3A_370 : i32
        %add3A_372 = arith.addi %mul3A_2, %mul3A_371 : i32
        %dma_start3A_373 = arith.constant 0 : i32
        %dma_start3A_374 = tpu.memref_slice %arg4[%add3A_372, %dma_start3A_373] : memref<8192x768xf32, #tpu.memory_space<hbm>> -> memref<16x768xf32, #tpu.memory_space<hbm>>
        %dma_start3A_375 = arith.constant 0 : i32
        %dma_start3A_376 = tpu.memref_slice %arg4[%add3A_372, %dma_start3A_375] : memref<8192x768xf32, #tpu.memory_space<hbm>> -> memref<16x768xf32, #tpu.memory_space<hbm>>
        tpu.enqueue_dma source(%dma_start3A_376 : memref<16x768xf32, #tpu.memory_space<hbm>>) target(%arg16 : memref<16x768xf32, #tpu.memory_space<vmem>>) target_semaphore(%arg26 : memref<!tpu.dma_semaphore, #tpu.memory_space<semaphore_mem>>)
      } else {
      }
      %mul3A_184 = arith.constant 16 : i32
      %mul3A_185 = arith.muli %mul3A_174, %mul3A_184 : i32
      %dma_wait3A_186 = arith.constant 0 : i32
      %dma_wait3A_187 = tpu.memref_slice %arg6[%dma_wait3A_186, %mul3A_185] : memref<4x256xi32, #tpu.memory_space<vmem>> -> memref<1x16xi32, #tpu.memory_space<vmem>>
      %dma_wait3A_188 = tpu.memref_squeeze %dma_wait3A_187 : memref<1x16xi32, #tpu.memory_space<vmem>> -> memref<16xi32, #tpu.memory_space<vmem>>
      %dma_wait3A_189 = arith.constant 0 : i32
      %dma_wait3A_190 = arith.constant 0 : i32
      %dma_wait3A_191 = tpu.memref_slice %arg3[%dma_wait3A_189, %dma_wait3A_190] : memref<100000x768xf32, #tpu.memory_space<hbm>> -> memref<100000x768xf32, #tpu.memory_space<hbm>>
      tpu.wait_indirect_dma semaphore(%arg17 : memref<!tpu.dma_semaphore, #tpu.memory_space<semaphore_mem>>) src(%dma_wait3A_191 : memref<100000x768xf32, #tpu.memory_space<hbm>>) dst(%arg7 : memref<16x768xf32, #tpu.memory_space<vmem>>)
      %mul3A_192 = arith.constant 16 : i32
      %mul3A_193 = arith.muli %mul3A_174, %mul3A_192 : i32
      %dma_wait3A_194 = arith.constant 1 : i32
      %dma_wait3A_195 = tpu.memref_slice %arg6[%dma_wait3A_194, %mul3A_193] : memref<4x256xi32, #tpu.memory_space<vmem>> -> memref<1x16xi32, #tpu.memory_space<vmem>>
      %dma_wait3A_196 = tpu.memref_squeeze %dma_wait3A_195 : memref<1x16xi32, #tpu.memory_space<vmem>> -> memref<16xi32, #tpu.memory_space<vmem>>
      %dma_wait3A_197 = arith.constant 0 : i32
      %dma_wait3A_198 = arith.constant 0 : i32
      %dma_wait3A_199 = tpu.memref_slice %arg3[%dma_wait3A_197, %dma_wait3A_198] : memref<100000x768xf32, #tpu.memory_space<hbm>> -> memref<100000x768xf32, #tpu.memory_space<hbm>>
      tpu.wait_indirect_dma semaphore(%arg18 : memref<!tpu.dma_semaphore, #tpu.memory_space<semaphore_mem>>) src(%dma_wait3A_199 : memref<100000x768xf32, #tpu.memory_space<hbm>>) dst(%arg8 : memref<16x768xf32, #tpu.memory_space<vmem>>)
      %mul3A_200 = arith.constant 16 : i32
      %mul3A_201 = arith.muli %mul3A_174, %mul3A_200 : i32
      %dma_wait3A_202 = arith.constant 2 : i32
      %dma_wait3A_203 = tpu.memref_slice %arg6[%dma_wait3A_202, %mul3A_201] : memref<4x256xi32, #tpu.memory_space<vmem>> -> memref<1x16xi32, #tpu.memory_space<vmem>>
      %dma_wait3A_204 = tpu.memref_squeeze %dma_wait3A_203 : memref<1x16xi32, #tpu.memory_space<vmem>> -> memref<16xi32, #tpu.memory_space<vmem>>
      %dma_wait3A_205 = arith.constant 0 : i32
      %dma_wait3A_206 = arith.constant 0 : i32
      %dma_wait3A_207 = tpu.memref_slice %arg3[%dma_wait3A_205, %dma_wait3A_206] : memref<100000x768xf32, #tpu.memory_space<hbm>> -> memref<100000x768xf32, #tpu.memory_space<hbm>>
      tpu.wait_indirect_dma semaphore(%arg19 : memref<!tpu.dma_semaphore, #tpu.memory_space<semaphore_mem>>) src(%dma_wait3A_207 : memref<100000x768xf32, #tpu.memory_space<hbm>>) dst(%arg9 : memref<16x768xf32, #tpu.memory_space<vmem>>)
      %mul3A_208 = arith.constant 16 : i32
      %mul3A_209 = arith.muli %mul3A_174, %mul3A_208 : i32
      %dma_wait3A_210 = arith.constant 3 : i32
      %dma_wait3A_211 = tpu.memref_slice %arg6[%dma_wait3A_210, %mul3A_209] : memref<4x256xi32, #tpu.memory_space<vmem>> -> memref<1x16xi32, #tpu.memory_space<vmem>>
      %dma_wait3A_212 = tpu.memref_squeeze %dma_wait3A_211 : memref<1x16xi32, #tpu.memory_space<vmem>> -> memref<16xi32, #tpu.memory_space<vmem>>
      %dma_wait3A_213 = arith.constant 0 : i32
      %dma_wait3A_214 = arith.constant 0 : i32
      %dma_wait3A_215 = tpu.memref_slice %arg3[%dma_wait3A_213, %dma_wait3A_214] : memref<100000x768xf32, #tpu.memory_space<hbm>> -> memref<100000x768xf32, #tpu.memory_space<hbm>>
      tpu.wait_indirect_dma semaphore(%arg20 : memref<!tpu.dma_semaphore, #tpu.memory_space<semaphore_mem>>) src(%dma_wait3A_215 : memref<100000x768xf32, #tpu.memory_space<hbm>>) dst(%arg10 : memref<16x768xf32, #tpu.memory_space<vmem>>)
      %gt3A = arith.constant 0 : i32
      %gt3A_216 = arith.cmpi sgt, %mul3A_174, %gt3A : i32
      %convert_element_type3A_217 = arith.extui %gt3A_216 : i1 to i32
      %cond3A_218 = arith.constant 0 : i32
      %cond3A_219 = arith.cmpi ne, %convert_element_type3A_217, %cond3A_218 : i32
      scf.if %cond3A_219 {
        %sub3A = arith.constant 1 : i32
        %sub3A_368 = arith.subi %mul3A_174, %sub3A : i32
        %mul3A_369 = arith.constant 16 : i32
        %mul3A_370 = arith.muli %sub3A_368, %mul3A_369 : i32
        %add3A_371 = arith.addi %mul3A_2, %mul3A_370 : i32
        %dma_wait3A_372 = arith.constant 0 : i32
        %dma_wait3A_373 = arith.constant 0 : i32
        %dma_wait3A_374 = tpu.memref_slice %arg5[%dma_wait3A_372, %add3A_371, %dma_wait3A_373] : memref<4x8192x768xf32, #tpu.memory_space<hbm>> -> memref<1x16x768xf32, #tpu.memory_space<hbm>>
        %dma_wait3A_375 = tpu.memref_squeeze %dma_wait3A_374 : memref<1x16x768xf32, #tpu.memory_space<hbm>> -> memref<16x768xf32, #tpu.memory_space<hbm>>
        %dma_wait3A_376 = arith.constant 0 : i32
        %dma_wait3A_377 = tpu.memref_slice %arg5[%dma_wait3A_372, %add3A_371, %dma_wait3A_376] : memref<4x8192x768xf32, #tpu.memory_space<hbm>> -> memref<1x16x768xf32, #tpu.memory_space<hbm>>
        %dma_wait3A_378 = tpu.memref_squeeze %dma_wait3A_377 : memref<1x16x768xf32, #tpu.memory_space<hbm>> -> memref<16x768xf32, #tpu.memory_space<hbm>>
        tpu.wait_dma2 semaphore(%arg21 : memref<!tpu.dma_semaphore, #tpu.memory_space<semaphore_mem>>) src(%arg11 : memref<16x768xf32, #tpu.memory_space<vmem>>) dst(%dma_wait3A_378 : memref<16x768xf32, #tpu.memory_space<hbm>>)
        %sub3A_379 = arith.constant 1 : i32
        %sub3A_380 = arith.subi %mul3A_174, %sub3A_379 : i32
        %mul3A_381 = arith.constant 16 : i32
        %mul3A_382 = arith.muli %sub3A_380, %mul3A_381 : i32
        %add3A_383 = arith.addi %mul3A_2, %mul3A_382 : i32
        %dma_wait3A_384 = arith.constant 1 : i32
        %dma_wait3A_385 = arith.constant 0 : i32
        %dma_wait3A_386 = tpu.memref_slice %arg5[%dma_wait3A_384, %add3A_383, %dma_wait3A_385] : memref<4x8192x768xf32, #tpu.memory_space<hbm>> -> memref<1x16x768xf32, #tpu.memory_space<hbm>>
        %dma_wait3A_387 = tpu.memref_squeeze %dma_wait3A_386 : memref<1x16x768xf32, #tpu.memory_space<hbm>> -> memref<16x768xf32, #tpu.memory_space<hbm>>
        %dma_wait3A_388 = arith.constant 0 : i32
        %dma_wait3A_389 = tpu.memref_slice %arg5[%dma_wait3A_384, %add3A_383, %dma_wait3A_388] : memref<4x8192x768xf32, #tpu.memory_space<hbm>> -> memref<1x16x768xf32, #tpu.memory_space<hbm>>
        %dma_wait3A_390 = tpu.memref_squeeze %dma_wait3A_389 : memref<1x16x768xf32, #tpu.memory_space<hbm>> -> memref<16x768xf32, #tpu.memory_space<hbm>>
        tpu.wait_dma2 semaphore(%arg22 : memref<!tpu.dma_semaphore, #tpu.memory_space<semaphore_mem>>) src(%arg12 : memref<16x768xf32, #tpu.memory_space<vmem>>) dst(%dma_wait3A_390 : memref<16x768xf32, #tpu.memory_space<hbm>>)
        %sub3A_391 = arith.constant 1 : i32
        %sub3A_392 = arith.subi %mul3A_174, %sub3A_391 : i32
        %mul3A_393 = arith.constant 16 : i32
        %mul3A_394 = arith.muli %sub3A_392, %mul3A_393 : i32
        %add3A_395 = arith.addi %mul3A_2, %mul3A_394 : i32
        %dma_wait3A_396 = arith.constant 2 : i32
        %dma_wait3A_397 = arith.constant 0 : i32
        %dma_wait3A_398 = tpu.memref_slice %arg5[%dma_wait3A_396, %add3A_395, %dma_wait3A_397] : memref<4x8192x768xf32, #tpu.memory_space<hbm>> -> memref<1x16x768xf32, #tpu.memory_space<hbm>>
        %dma_wait3A_399 = tpu.memref_squeeze %dma_wait3A_398 : memref<1x16x768xf32, #tpu.memory_space<hbm>> -> memref<16x768xf32, #tpu.memory_space<hbm>>
        %dma_wait3A_400 = arith.constant 0 : i32
        %dma_wait3A_401 = tpu.memref_slice %arg5[%dma_wait3A_396, %add3A_395, %dma_wait3A_400] : memref<4x8192x768xf32, #tpu.memory_space<hbm>> -> memref<1x16x768xf32, #tpu.memory_space<hbm>>
        %dma_wait3A_402 = tpu.memref_squeeze %dma_wait3A_401 : memref<1x16x768xf32, #tpu.memory_space<hbm>> -> memref<16x768xf32, #tpu.memory_space<hbm>>
        tpu.wait_dma2 semaphore(%arg23 : memref<!tpu.dma_semaphore, #tpu.memory_space<semaphore_mem>>) src(%arg13 : memref<16x768xf32, #tpu.memory_space<vmem>>) dst(%dma_wait3A_402 : memref<16x768xf32, #tpu.memory_space<hbm>>)
        %sub3A_403 = arith.constant 1 : i32
        %sub3A_404 = arith.subi %mul3A_174, %sub3A_403 : i32
        %mul3A_405 = arith.constant 16 : i32
        %mul3A_406 = arith.muli %sub3A_404, %mul3A_405 : i32
        %add3A_407 = arith.addi %mul3A_2, %mul3A_406 : i32
        %dma_wait3A_408 = arith.constant 3 : i32
        %dma_wait3A_409 = arith.constant 0 : i32
        %dma_wait3A_410 = tpu.memref_slice %arg5[%dma_wait3A_408, %add3A_407, %dma_wait3A_409] : memref<4x8192x768xf32, #tpu.memory_space<hbm>> -> memref<1x16x768xf32, #tpu.memory_space<hbm>>
        %dma_wait3A_411 = tpu.memref_squeeze %dma_wait3A_410 : memref<1x16x768xf32, #tpu.memory_space<hbm>> -> memref<16x768xf32, #tpu.memory_space<hbm>>
        %dma_wait3A_412 = arith.constant 0 : i32
        %dma_wait3A_413 = tpu.memref_slice %arg5[%dma_wait3A_408, %add3A_407, %dma_wait3A_412] : memref<4x8192x768xf32, #tpu.memory_space<hbm>> -> memref<1x16x768xf32, #tpu.memory_space<hbm>>
        %dma_wait3A_414 = tpu.memref_squeeze %dma_wait3A_413 : memref<1x16x768xf32, #tpu.memory_space<hbm>> -> memref<16x768xf32, #tpu.memory_space<hbm>>
        tpu.wait_dma2 semaphore(%arg24 : memref<!tpu.dma_semaphore, #tpu.memory_space<semaphore_mem>>) src(%arg14 : memref<16x768xf32, #tpu.memory_space<vmem>>) dst(%dma_wait3A_414 : memref<16x768xf32, #tpu.memory_space<hbm>>)
      } else {
      }
      %lt3A_220 = arith.constant 15 : i32
      %lt3A_221 = arith.cmpi slt, %mul3A_174, %lt3A_220 : i32
      %convert_element_type3A_222 = arith.extui %lt3A_221 : i1 to i32
      %cond3A_223 = arith.constant 0 : i32
      %cond3A_224 = arith.cmpi ne, %convert_element_type3A_222, %cond3A_223 : i32
      scf.if %cond3A_224 {
        %add3A_368 = arith.constant 1 : i32
        %add3A_369 = arith.addi %mul3A_174, %add3A_368 : i32
        %mul3A_370 = arith.constant 16 : i32
        %mul3A_371 = arith.muli %add3A_369, %mul3A_370 : i32
        %dma_start3A_372 = arith.constant 0 : i32
        %dma_start3A_373 = tpu.memref_slice %arg6[%dma_start3A_372, %mul3A_371] : memref<4x256xi32, #tpu.memory_space<vmem>> -> memref<1x16xi32, #tpu.memory_space<vmem>>
        %dma_start3A_374 = tpu.memref_squeeze %dma_start3A_373 : memref<1x16xi32, #tpu.memory_space<vmem>> -> memref<16xi32, #tpu.memory_space<vmem>>
        %dma_start3A_375 = arith.constant 0 : i32
        %dma_start3A_376 = arith.constant 0 : i32
        %dma_start3A_377 = tpu.memref_slice %arg3[%dma_start3A_375, %dma_start3A_376] : memref<100000x768xf32, #tpu.memory_space<hbm>> -> memref<100000x768xf32, #tpu.memory_space<hbm>>
        tpu.enqueue_indirect_dma source(%dma_start3A_377 : memref<100000x768xf32, #tpu.memory_space<hbm>>) target(%arg11 : memref<16x768xf32, #tpu.memory_space<vmem>>) offsets(%dma_start3A_374 : memref<16xi32, #tpu.memory_space<vmem>>) semaphore(%arg21 : memref<!tpu.dma_semaphore, #tpu.memory_space<semaphore_mem>>)
        %add3A_378 = arith.constant 1 : i32
        %add3A_379 = arith.addi %mul3A_174, %add3A_378 : i32
        %mul3A_380 = arith.constant 16 : i32
        %mul3A_381 = arith.muli %add3A_379, %mul3A_380 : i32
        %dma_start3A_382 = arith.constant 1 : i32
        %dma_start3A_383 = tpu.memref_slice %arg6[%dma_start3A_382, %mul3A_381] : memref<4x256xi32, #tpu.memory_space<vmem>> -> memref<1x16xi32, #tpu.memory_space<vmem>>
        %dma_start3A_384 = tpu.memref_squeeze %dma_start3A_383 : memref<1x16xi32, #tpu.memory_space<vmem>> -> memref<16xi32, #tpu.memory_space<vmem>>
        %dma_start3A_385 = arith.constant 0 : i32
        %dma_start3A_386 = arith.constant 0 : i32
        %dma_start3A_387 = tpu.memref_slice %arg3[%dma_start3A_385, %dma_start3A_386] : memref<100000x768xf32, #tpu.memory_space<hbm>> -> memref<100000x768xf32, #tpu.memory_space<hbm>>
        tpu.enqueue_indirect_dma source(%dma_start3A_387 : memref<100000x768xf32, #tpu.memory_space<hbm>>) target(%arg12 : memref<16x768xf32, #tpu.memory_space<vmem>>) offsets(%dma_start3A_384 : memref<16xi32, #tpu.memory_space<vmem>>) semaphore(%arg22 : memref<!tpu.dma_semaphore, #tpu.memory_space<semaphore_mem>>)
        %add3A_388 = arith.constant 1 : i32
        %add3A_389 = arith.addi %mul3A_174, %add3A_388 : i32
        %mul3A_390 = arith.constant 16 : i32
        %mul3A_391 = arith.muli %add3A_389, %mul3A_390 : i32
        %dma_start3A_392 = arith.constant 2 : i32
        %dma_start3A_393 = tpu.memref_slice %arg6[%dma_start3A_392, %mul3A_391] : memref<4x256xi32, #tpu.memory_space<vmem>> -> memref<1x16xi32, #tpu.memory_space<vmem>>
        %dma_start3A_394 = tpu.memref_squeeze %dma_start3A_393 : memref<1x16xi32, #tpu.memory_space<vmem>> -> memref<16xi32, #tpu.memory_space<vmem>>
        %dma_start3A_395 = arith.constant 0 : i32
        %dma_start3A_396 = arith.constant 0 : i32
        %dma_start3A_397 = tpu.memref_slice %arg3[%dma_start3A_395, %dma_start3A_396] : memref<100000x768xf32, #tpu.memory_space<hbm>> -> memref<100000x768xf32, #tpu.memory_space<hbm>>
        tpu.enqueue_indirect_dma source(%dma_start3A_397 : memref<100000x768xf32, #tpu.memory_space<hbm>>) target(%arg13 : memref<16x768xf32, #tpu.memory_space<vmem>>) offsets(%dma_start3A_394 : memref<16xi32, #tpu.memory_space<vmem>>) semaphore(%arg23 : memref<!tpu.dma_semaphore, #tpu.memory_space<semaphore_mem>>)
        %add3A_398 = arith.constant 1 : i32
        %add3A_399 = arith.addi %mul3A_174, %add3A_398 : i32
        %mul3A_400 = arith.constant 16 : i32
        %mul3A_401 = arith.muli %add3A_399, %mul3A_400 : i32
        %dma_start3A_402 = arith.constant 3 : i32
        %dma_start3A_403 = tpu.memref_slice %arg6[%dma_start3A_402, %mul3A_401] : memref<4x256xi32, #tpu.memory_space<vmem>> -> memref<1x16xi32, #tpu.memory_space<vmem>>
        %dma_start3A_404 = tpu.memref_squeeze %dma_start3A_403 : memref<1x16xi32, #tpu.memory_space<vmem>> -> memref<16xi32, #tpu.memory_space<vmem>>
        %dma_start3A_405 = arith.constant 0 : i32
        %dma_start3A_406 = arith.constant 0 : i32
        %dma_start3A_407 = tpu.memref_slice %arg3[%dma_start3A_405, %dma_start3A_406] : memref<100000x768xf32, #tpu.memory_space<hbm>> -> memref<100000x768xf32, #tpu.memory_space<hbm>>
        tpu.enqueue_indirect_dma source(%dma_start3A_407 : memref<100000x768xf32, #tpu.memory_space<hbm>>) target(%arg14 : memref<16x768xf32, #tpu.memory_space<vmem>>) offsets(%dma_start3A_404 : memref<16xi32, #tpu.memory_space<vmem>>) semaphore(%arg24 : memref<!tpu.dma_semaphore, #tpu.memory_space<semaphore_mem>>)
      } else {
      }
      %parallel_loop3A = arith.constant 0 : i32
      %parallel_loop3A_225 = arith.constant 16 : i32
      %parallel_loop3A_226 = arith.constant 1 : i32
      scf.for %parallel_loop3A_368 = %parallel_loop3A to %parallel_loop3A_225 step %parallel_loop3A_226  : i32 {
        %parallel_loop3A_369 = arith.constant 0 : i32
        %parallel_loop3A_370 = arith.constant 768 : i32
        %parallel_loop3A_371 = arith.constant 16 : i32
        scf.for %parallel_loop3A_372 = %parallel_loop3A_369 to %parallel_loop3A_370 step %parallel_loop3A_371  : i32 {
          %parallel_loop3A_373 = arith.index_cast %parallel_loop3A_368 : i32 to index
          %parallel_loop3A_374 = arith.index_cast %parallel_loop3A_372 : i32 to index
          %parallel_loop3A_375 = tpu.vector_load %arg15[%parallel_loop3A_373, %parallel_loop3A_374] {strides = array<i32>} : memref<16x768xf32, #tpu.memory_space<vmem>>, vector<1x16xf32>,
          %parallel_loop3A_376 = vector.shape_cast %parallel_loop3A_375 : vector<1x16xf32> to vector<16xf32>
          %parallel_loop3A_377 = arith.index_cast %parallel_loop3A_368 : i32 to index
          %parallel_loop3A_378 = arith.index_cast %parallel_loop3A_372 : i32 to index
          %parallel_loop3A_379 = tpu.vector_load %arg7[%parallel_loop3A_377, %parallel_loop3A_378] {strides = array<i32>} : memref<16x768xf32, #tpu.memory_space<vmem>>, vector<1x16xf32>,
          %parallel_loop3A_380 = vector.shape_cast %parallel_loop3A_379 : vector<1x16xf32> to vector<16xf32>
          %parallel_loop3A_381 = arith.constant 27.7128124 : f32
          %parallel_loop3A_382 = vector.broadcast %parallel_loop3A_381 : f32 to vector<16xf32>
          %parallel_loop3A_383 = arith.mulf %parallel_loop3A_380, %parallel_loop3A_382 : vector<16xf32>
          %parallel_loop3A_384 = arith.addf %parallel_loop3A_383, %parallel_loop3A_376 : vector<16xf32>
          %parallel_loop3A_385 = arith.index_cast %parallel_loop3A_368 : i32 to index
          %parallel_loop3A_386 = arith.index_cast %parallel_loop3A_372 : i32 to index
          %parallel_loop3A_387 = tpu.vector_load %arg7[%parallel_loop3A_385, %parallel_loop3A_386] {strides = array<i32>} : memref<16x768xf32, #tpu.memory_space<vmem>>, vector<1x16xf32>,
          %parallel_loop3A_388 = vector.shape_cast %parallel_loop3A_387 : vector<1x16xf32> to vector<16xf32>
          %parallel_loop3A_389 = vector.shape_cast %parallel_loop3A_384 : vector<16xf32> to vector<1x16xf32>
          tpu.vector_store %arg7[%parallel_loop3A_385, %parallel_loop3A_386], %parallel_loop3A_389 {strides = array<i32>} : memref<16x768xf32, #tpu.memory_space<vmem>>, vector<1x16xf32>,
          %parallel_loop3A_390 = arith.index_cast %parallel_loop3A_368 : i32 to index
          %parallel_loop3A_391 = arith.index_cast %parallel_loop3A_372 : i32 to index
          %parallel_loop3A_392 = tpu.vector_load %arg8[%parallel_loop3A_390, %parallel_loop3A_391] {strides = array<i32>} : memref<16x768xf32, #tpu.memory_space<vmem>>, vector<1x16xf32>,
          %parallel_loop3A_393 = vector.shape_cast %parallel_loop3A_392 : vector<1x16xf32> to vector<16xf32>
          %parallel_loop3A_394 = arith.constant 27.7128124 : f32
          %parallel_loop3A_395 = vector.broadcast %parallel_loop3A_394 : f32 to vector<16xf32>
          %parallel_loop3A_396 = arith.mulf %parallel_loop3A_393, %parallel_loop3A_395 : vector<16xf32>
          %parallel_loop3A_397 = arith.addf %parallel_loop3A_396, %parallel_loop3A_376 : vector<16xf32>
          %parallel_loop3A_398 = arith.index_cast %parallel_loop3A_368 : i32 to index
          %parallel_loop3A_399 = arith.index_cast %parallel_loop3A_372 : i32 to index
          %parallel_loop3A_400 = tpu.vector_load %arg8[%parallel_loop3A_398, %parallel_loop3A_399] {strides = array<i32>} : memref<16x768xf32, #tpu.memory_space<vmem>>, vector<1x16xf32>,
          %parallel_loop3A_401 = vector.shape_cast %parallel_loop3A_400 : vector<1x16xf32> to vector<16xf32>
          %parallel_loop3A_402 = vector.shape_cast %parallel_loop3A_397 : vector<16xf32> to vector<1x16xf32>
          tpu.vector_store %arg8[%parallel_loop3A_398, %parallel_loop3A_399], %parallel_loop3A_402 {strides = array<i32>} : memref<16x768xf32, #tpu.memory_space<vmem>>, vector<1x16xf32>,
          %parallel_loop3A_403 = arith.index_cast %parallel_loop3A_368 : i32 to index
          %parallel_loop3A_404 = arith.index_cast %parallel_loop3A_372 : i32 to index
          %parallel_loop3A_405 = tpu.vector_load %arg9[%parallel_loop3A_403, %parallel_loop3A_404] {strides = array<i32>} : memref<16x768xf32, #tpu.memory_space<vmem>>, vector<1x16xf32>,
          %parallel_loop3A_406 = vector.shape_cast %parallel_loop3A_405 : vector<1x16xf32> to vector<16xf32>
          %parallel_loop3A_407 = arith.constant 27.7128124 : f32
          %parallel_loop3A_408 = vector.broadcast %parallel_loop3A_407 : f32 to vector<16xf32>
          %parallel_loop3A_409 = arith.mulf %parallel_loop3A_406, %parallel_loop3A_408 : vector<16xf32>
          %parallel_loop3A_410 = arith.addf %parallel_loop3A_409, %parallel_loop3A_376 : vector<16xf32>
          %parallel_loop3A_411 = arith.index_cast %parallel_loop3A_368 : i32 to index
          %parallel_loop3A_412 = arith.index_cast %parallel_loop3A_372 : i32 to index
          %parallel_loop3A_413 = tpu.vector_load %arg9[%parallel_loop3A_411, %parallel_loop3A_412] {strides = array<i32>} : memref<16x768xf32, #tpu.memory_space<vmem>>, vector<1x16xf32>,
          %parallel_loop3A_414 = vector.shape_cast %parallel_loop3A_413 : vector<1x16xf32> to vector<16xf32>
          %parallel_loop3A_415 = vector.shape_cast %parallel_loop3A_410 : vector<16xf32> to vector<1x16xf32>
          tpu.vector_store %arg9[%parallel_loop3A_411, %parallel_loop3A_412], %parallel_loop3A_415 {strides = array<i32>} : memref<16x768xf32, #tpu.memory_space<vmem>>, vector<1x16xf32>,
          %parallel_loop3A_416 = arith.index_cast %parallel_loop3A_368 : i32 to index
          %parallel_loop3A_417 = arith.index_cast %parallel_loop3A_372 : i32 to index
          %parallel_loop3A_418 = tpu.vector_load %arg10[%parallel_loop3A_416, %parallel_loop3A_417] {strides = array<i32>} : memref<16x768xf32, #tpu.memory_space<vmem>>, vector<1x16xf32>,
          %parallel_loop3A_419 = vector.shape_cast %parallel_loop3A_418 : vector<1x16xf32> to vector<16xf32>
          %parallel_loop3A_420 = arith.constant 27.7128124 : f32
          %parallel_loop3A_421 = vector.broadcast %parallel_loop3A_420 : f32 to vector<16xf32>
          %parallel_loop3A_422 = arith.mulf %parallel_loop3A_419, %parallel_loop3A_421 : vector<16xf32>
          %parallel_loop3A_423 = arith.addf %parallel_loop3A_422, %parallel_loop3A_376 : vector<16xf32>
          %parallel_loop3A_424 = arith.index_cast %parallel_loop3A_368 : i32 to index
          %parallel_loop3A_425 = arith.index_cast %parallel_loop3A_372 : i32 to index
          %parallel_loop3A_426 = tpu.vector_load %arg10[%parallel_loop3A_424, %parallel_loop3A_425] {strides = array<i32>} : memref<16x768xf32, #tpu.memory_space<vmem>>, vector<1x16xf32>,
          %parallel_loop3A_427 = vector.shape_cast %parallel_loop3A_426 : vector<1x16xf32> to vector<16xf32>
          %parallel_loop3A_428 = vector.shape_cast %parallel_loop3A_423 : vector<16xf32> to vector<1x16xf32>
          tpu.vector_store %arg10[%parallel_loop3A_424, %parallel_loop3A_425], %parallel_loop3A_428 {strides = array<i32>} : memref<16x768xf32, #tpu.memory_space<vmem>>, vector<1x16xf32>,
        } {sc.loop_unroll_factor = 4 : i64, sc.parallel_access}
      } {sc.loop_unroll_factor = 1 : i64, sc.parallel_access}
      %mul3A_227 = arith.constant 16 : i32
      %mul3A_228 = arith.muli %mul3A_174, %mul3A_227 : i32
      %add3A_229 = arith.addi %mul3A_2, %mul3A_228 : i32
      %dma_start3A_230 = arith.constant 0 : i32
      %dma_start3A_231 = arith.constant 0 : i32
      %dma_start3A_232 = tpu.memref_slice %arg5[%dma_start3A_230, %add3A_229, %dma_start3A_231] : memref<4x8192x768xf32, #tpu.memory_space<hbm>> -> memref<1x16x768xf32, #tpu.memory_space<hbm>>
      %dma_start3A_233 = tpu.memref_squeeze %dma_start3A_232 : memref<1x16x768xf32, #tpu.memory_space<hbm>> -> memref<16x768xf32, #tpu.memory_space<hbm>>
      %dma_start3A_234 = arith.constant 0 : i32
      %dma_start3A_235 = tpu.memref_slice %arg5[%dma_start3A_230, %add3A_229, %dma_start3A_234] : memref<4x8192x768xf32, #tpu.memory_space<hbm>> -> memref<1x16x768xf32, #tpu.memory_space<hbm>>
      %dma_start3A_236 = tpu.memref_squeeze %dma_start3A_235 : memref<1x16x768xf32, #tpu.memory_space<hbm>> -> memref<16x768xf32, #tpu.memory_space<hbm>>
      tpu.enqueue_dma source(%arg7 : memref<16x768xf32, #tpu.memory_space<vmem>>) target(%dma_start3A_236 : memref<16x768xf32, #tpu.memory_space<hbm>>) target_semaphore(%arg17 : memref<!tpu.dma_semaphore, #tpu.memory_space<semaphore_mem>>)
      %mul3A_237 = arith.constant 16 : i32
      %mul3A_238 = arith.muli %mul3A_174, %mul3A_237 : i32
      %add3A_239 = arith.addi %mul3A_2, %mul3A_238 : i32
      %dma_start3A_240 = arith.constant 1 : i32
      %dma_start3A_241 = arith.constant 0 : i32
      %dma_start3A_242 = tpu.memref_slice %arg5[%dma_start3A_240, %add3A_239, %dma_start3A_241] : memref<4x8192x768xf32, #tpu.memory_space<hbm>> -> memref<1x16x768xf32, #tpu.memory_space<hbm>>
      %dma_start3A_243 = tpu.memref_squeeze %dma_start3A_242 : memref<1x16x768xf32, #tpu.memory_space<hbm>> -> memref<16x768xf32, #tpu.memory_space<hbm>>
      %dma_start3A_244 = arith.constant 0 : i32
      %dma_start3A_245 = tpu.memref_slice %arg5[%dma_start3A_240, %add3A_239, %dma_start3A_244] : memref<4x8192x768xf32, #tpu.memory_space<hbm>> -> memref<1x16x768xf32, #tpu.memory_space<hbm>>
      %dma_start3A_246 = tpu.memref_squeeze %dma_start3A_245 : memref<1x16x768xf32, #tpu.memory_space<hbm>> -> memref<16x768xf32, #tpu.memory_space<hbm>>
      tpu.enqueue_dma source(%arg8 : memref<16x768xf32, #tpu.memory_space<vmem>>) target(%dma_start3A_246 : memref<16x768xf32, #tpu.memory_space<hbm>>) target_semaphore(%arg18 : memref<!tpu.dma_semaphore, #tpu.memory_space<semaphore_mem>>)
      %mul3A_247 = arith.constant 16 : i32
      %mul3A_248 = arith.muli %mul3A_174, %mul3A_247 : i32
      %add3A_249 = arith.addi %mul3A_2, %mul3A_248 : i32
      %dma_start3A_250 = arith.constant 2 : i32
      %dma_start3A_251 = arith.constant 0 : i32
      %dma_start3A_252 = tpu.memref_slice %arg5[%dma_start3A_250, %add3A_249, %dma_start3A_251] : memref<4x8192x768xf32, #tpu.memory_space<hbm>> -> memref<1x16x768xf32, #tpu.memory_space<hbm>>
      %dma_start3A_253 = tpu.memref_squeeze %dma_start3A_252 : memref<1x16x768xf32, #tpu.memory_space<hbm>> -> memref<16x768xf32, #tpu.memory_space<hbm>>
      %dma_start3A_254 = arith.constant 0 : i32
      %dma_start3A_255 = tpu.memref_slice %arg5[%dma_start3A_250, %add3A_249, %dma_start3A_254] : memref<4x8192x768xf32, #tpu.memory_space<hbm>> -> memref<1x16x768xf32, #tpu.memory_space<hbm>>
      %dma_start3A_256 = tpu.memref_squeeze %dma_start3A_255 : memref<1x16x768xf32, #tpu.memory_space<hbm>> -> memref<16x768xf32, #tpu.memory_space<hbm>>
      tpu.enqueue_dma source(%arg9 : memref<16x768xf32, #tpu.memory_space<vmem>>) target(%dma_start3A_256 : memref<16x768xf32, #tpu.memory_space<hbm>>) target_semaphore(%arg19 : memref<!tpu.dma_semaphore, #tpu.memory_space<semaphore_mem>>)
      %mul3A_257 = arith.constant 16 : i32
      %mul3A_258 = arith.muli %mul3A_174, %mul3A_257 : i32
      %add3A_259 = arith.addi %mul3A_2, %mul3A_258 : i32
      %dma_start3A_260 = arith.constant 3 : i32
      %dma_start3A_261 = arith.constant 0 : i32
      %dma_start3A_262 = tpu.memref_slice %arg5[%dma_start3A_260, %add3A_259, %dma_start3A_261] : memref<4x8192x768xf32, #tpu.memory_space<hbm>> -> memref<1x16x768xf32, #tpu.memory_space<hbm>>
      %dma_start3A_263 = tpu.memref_squeeze %dma_start3A_262 : memref<1x16x768xf32, #tpu.memory_space<hbm>> -> memref<16x768xf32, #tpu.memory_space<hbm>>
      %dma_start3A_264 = arith.constant 0 : i32
      %dma_start3A_265 = tpu.memref_slice %arg5[%dma_start3A_260, %add3A_259, %dma_start3A_264] : memref<4x8192x768xf32, #tpu.memory_space<hbm>> -> memref<1x16x768xf32, #tpu.memory_space<hbm>>
      %dma_start3A_266 = tpu.memref_squeeze %dma_start3A_265 : memref<1x16x768xf32, #tpu.memory_space<hbm>> -> memref<16x768xf32, #tpu.memory_space<hbm>>
      tpu.enqueue_dma source(%arg10 : memref<16x768xf32, #tpu.memory_space<vmem>>) target(%dma_start3A_266 : memref<16x768xf32, #tpu.memory_space<hbm>>) target_semaphore(%arg20 : memref<!tpu.dma_semaphore, #tpu.memory_space<semaphore_mem>>)
      %mul3A_267 = arith.constant 2 : i32
      %mul3A_268 = arith.muli %mul3A_267, %scan3A_172 : i32
      %add3A_269 = arith.constant 1 : i32
      %add3A_270 = arith.addi %mul3A_268, %add3A_269 : i32
      %mul3A_271 = arith.constant 16 : i32
      %mul3A_272 = arith.muli %add3A_270, %mul3A_271 : i32
      %add3A_273 = arith.addi %mul3A_2, %mul3A_272 : i32
      %dma_wait3A_274 = arith.constant 0 : i32
      %dma_wait3A_275 = tpu.memref_slice %arg4[%add3A_273, %dma_wait3A_274] : memref<8192x768xf32, #tpu.memory_space<hbm>> -> memref<16x768xf32, #tpu.memory_space<hbm>>
      %dma_wait3A_276 = arith.constant 0 : i32
      %dma_wait3A_277 = tpu.memref_slice %arg4[%add3A_273, %dma_wait3A_276] : memref<8192x768xf32, #tpu.memory_space<hbm>> -> memref<16x768xf32, #tpu.memory_space<hbm>>
      tpu.wait_dma2 semaphore(%arg26 : memref<!tpu.dma_semaphore, #tpu.memory_space<semaphore_mem>>) src(%dma_wait3A_277 : memref<16x768xf32, #tpu.memory_space<hbm>>) dst(%arg16 : memref<16x768xf32, #tpu.memory_space<vmem>>)
      %lt3A_278 = arith.constant 15 : i32
      %lt3A_279 = arith.cmpi slt, %add3A_270, %lt3A_278 : i32
      %convert_element_type3A_280 = arith.extui %lt3A_279 : i1 to i32
      %cond3A_281 = arith.constant 0 : i32
      %cond3A_282 = arith.cmpi ne, %convert_element_type3A_280, %cond3A_281 : i32
      scf.if %cond3A_282 {
        %add3A_368 = arith.constant 1 : i32
        %add3A_369 = arith.addi %add3A_270, %add3A_368 : i32
        %mul3A_370 = arith.constant 16 : i32
        %mul3A_371 = arith.muli %add3A_369, %mul3A_370 : i32
        %add3A_372 = arith.addi %mul3A_2, %mul3A_371 : i32
        %dma_start3A_373 = arith.constant 0 : i32
        %dma_start3A_374 = tpu.memref_slice %arg4[%add3A_372, %dma_start3A_373] : memref<8192x768xf32, #tpu.memory_space<hbm>> -> memref<16x768xf32, #tpu.memory_space<hbm>>
        %dma_start3A_375 = arith.constant 0 : i32
        %dma_start3A_376 = tpu.memref_slice %arg4[%add3A_372, %dma_start3A_375] : memref<8192x768xf32, #tpu.memory_space<hbm>> -> memref<16x768xf32, #tpu.memory_space<hbm>>
        tpu.enqueue_dma source(%dma_start3A_376 : memref<16x768xf32, #tpu.memory_space<hbm>>) target(%arg15 : memref<16x768xf32, #tpu.memory_space<vmem>>) target_semaphore(%arg25 : memref<!tpu.dma_semaphore, #tpu.memory_space<semaphore_mem>>)
      } else {
      }
      %mul3A_283 = arith.constant 16 : i32
      %mul3A_284 = arith.muli %add3A_270, %mul3A_283 : i32
      %dma_wait3A_285 = arith.constant 0 : i32
      %dma_wait3A_286 = tpu.memref_slice %arg6[%dma_wait3A_285, %mul3A_284] : memref<4x256xi32, #tpu.memory_space<vmem>> -> memref<1x16xi32, #tpu.memory_space<vmem>>
      %dma_wait3A_287 = tpu.memref_squeeze %dma_wait3A_286 : memref<1x16xi32, #tpu.memory_space<vmem>> -> memref<16xi32, #tpu.memory_space<vmem>>
      %dma_wait3A_288 = arith.constant 0 : i32
      %dma_wait3A_289 = arith.constant 0 : i32
      %dma_wait3A_290 = tpu.memref_slice %arg3[%dma_wait3A_288, %dma_wait3A_289] : memref<100000x768xf32, #tpu.memory_space<hbm>> -> memref<100000x768xf32, #tpu.memory_space<hbm>>
      tpu.wait_indirect_dma semaphore(%arg21 : memref<!tpu.dma_semaphore, #tpu.memory_space<semaphore_mem>>) src(%dma_wait3A_290 : memref<100000x768xf32, #tpu.memory_space<hbm>>) dst(%arg11 : memref<16x768xf32, #tpu.memory_space<vmem>>)
      %mul3A_291 = arith.constant 16 : i32
      %mul3A_292 = arith.muli %add3A_270, %mul3A_291 : i32
      %dma_wait3A_293 = arith.constant 1 : i32
      %dma_wait3A_294 = tpu.memref_slice %arg6[%dma_wait3A_293, %mul3A_292] : memref<4x256xi32, #tpu.memory_space<vmem>> -> memref<1x16xi32, #tpu.memory_space<vmem>>
      %dma_wait3A_295 = tpu.memref_squeeze %dma_wait3A_294 : memref<1x16xi32, #tpu.memory_space<vmem>> -> memref<16xi32, #tpu.memory_space<vmem>>
      %dma_wait3A_296 = arith.constant 0 : i32
      %dma_wait3A_297 = arith.constant 0 : i32
      %dma_wait3A_298 = tpu.memref_slice %arg3[%dma_wait3A_296, %dma_wait3A_297] : memref<100000x768xf32, #tpu.memory_space<hbm>> -> memref<100000x768xf32, #tpu.memory_space<hbm>>
      tpu.wait_indirect_dma semaphore(%arg22 : memref<!tpu.dma_semaphore, #tpu.memory_space<semaphore_mem>>) src(%dma_wait3A_298 : memref<100000x768xf32, #tpu.memory_space<hbm>>) dst(%arg12 : memref<16x768xf32, #tpu.memory_space<vmem>>)
      %mul3A_299 = arith.constant 16 : i32
      %mul3A_300 = arith.muli %add3A_270, %mul3A_299 : i32
      %dma_wait3A_301 = arith.constant 2 : i32
      %dma_wait3A_302 = tpu.memref_slice %arg6[%dma_wait3A_301, %mul3A_300] : memref<4x256xi32, #tpu.memory_space<vmem>> -> memref<1x16xi32, #tpu.memory_space<vmem>>
      %dma_wait3A_303 = tpu.memref_squeeze %dma_wait3A_302 : memref<1x16xi32, #tpu.memory_space<vmem>> -> memref<16xi32, #tpu.memory_space<vmem>>
      %dma_wait3A_304 = arith.constant 0 : i32
      %dma_wait3A_305 = arith.constant 0 : i32
      %dma_wait3A_306 = tpu.memref_slice %arg3[%dma_wait3A_304, %dma_wait3A_305] : memref<100000x768xf32, #tpu.memory_space<hbm>> -> memref<100000x768xf32, #tpu.memory_space<hbm>>
      tpu.wait_indirect_dma semaphore(%arg23 : memref<!tpu.dma_semaphore, #tpu.memory_space<semaphore_mem>>) src(%dma_wait3A_306 : memref<100000x768xf32, #tpu.memory_space<hbm>>) dst(%arg13 : memref<16x768xf32, #tpu.memory_space<vmem>>)
      %mul3A_307 = arith.constant 16 : i32
      %mul3A_308 = arith.muli %add3A_270, %mul3A_307 : i32
      %dma_wait3A_309 = arith.constant 3 : i32
      %dma_wait3A_310 = tpu.memref_slice %arg6[%dma_wait3A_309, %mul3A_308] : memref<4x256xi32, #tpu.memory_space<vmem>> -> memref<1x16xi32, #tpu.memory_space<vmem>>
      %dma_wait3A_311 = tpu.memref_squeeze %dma_wait3A_310 : memref<1x16xi32, #tpu.memory_space<vmem>> -> memref<16xi32, #tpu.memory_space<vmem>>
      %dma_wait3A_312 = arith.constant 0 : i32
      %dma_wait3A_313 = arith.constant 0 : i32
      %dma_wait3A_314 = tpu.memref_slice %arg3[%dma_wait3A_312, %dma_wait3A_313] : memref<100000x768xf32, #tpu.memory_space<hbm>> -> memref<100000x768xf32, #tpu.memory_space<hbm>>
      tpu.wait_indirect_dma semaphore(%arg24 : memref<!tpu.dma_semaphore, #tpu.memory_space<semaphore_mem>>) src(%dma_wait3A_314 : memref<100000x768xf32, #tpu.memory_space<hbm>>) dst(%arg14 : memref<16x768xf32, #tpu.memory_space<vmem>>)
      %gt3A_315 = arith.constant 0 : i32
      %gt3A_316 = arith.cmpi sgt, %add3A_270, %gt3A_315 : i32
      %convert_element_type3A_317 = arith.extui %gt3A_316 : i1 to i32
      %cond3A_318 = arith.constant 0 : i32
      %cond3A_319 = arith.cmpi ne, %convert_element_type3A_317, %cond3A_318 : i32
      scf.if %cond3A_319 {
        %sub3A = arith.constant 1 : i32
        %sub3A_368 = arith.subi %add3A_270, %sub3A : i32
        %mul3A_369 = arith.constant 16 : i32
        %mul3A_370 = arith.muli %sub3A_368, %mul3A_369 : i32
        %add3A_371 = arith.addi %mul3A_2, %mul3A_370 : i32
        %dma_wait3A_372 = arith.constant 0 : i32
        %dma_wait3A_373 = arith.constant 0 : i32
        %dma_wait3A_374 = tpu.memref_slice %arg5[%dma_wait3A_372, %add3A_371, %dma_wait3A_373] : memref<4x8192x768xf32, #tpu.memory_space<hbm>> -> memref<1x16x768xf32, #tpu.memory_space<hbm>>
        %dma_wait3A_375 = tpu.memref_squeeze %dma_wait3A_374 : memref<1x16x768xf32, #tpu.memory_space<hbm>> -> memref<16x768xf32, #tpu.memory_space<hbm>>
        %dma_wait3A_376 = arith.constant 0 : i32
        %dma_wait3A_377 = tpu.memref_slice %arg5[%dma_wait3A_372, %add3A_371, %dma_wait3A_376] : memref<4x8192x768xf32, #tpu.memory_space<hbm>> -> memref<1x16x768xf32, #tpu.memory_space<hbm>>
        %dma_wait3A_378 = tpu.memref_squeeze %dma_wait3A_377 : memref<1x16x768xf32, #tpu.memory_space<hbm>> -> memref<16x768xf32, #tpu.memory_space<hbm>>
        tpu.wait_dma2 semaphore(%arg17 : memref<!tpu.dma_semaphore, #tpu.memory_space<semaphore_mem>>) src(%arg7 : memref<16x768xf32, #tpu.memory_space<vmem>>) dst(%dma_wait3A_378 : memref<16x768xf32, #tpu.memory_space<hbm>>)
        %sub3A_379 = arith.constant 1 : i32
        %sub3A_380 = arith.subi %add3A_270, %sub3A_379 : i32
        %mul3A_381 = arith.constant 16 : i32
        %mul3A_382 = arith.muli %sub3A_380, %mul3A_381 : i32
        %add3A_383 = arith.addi %mul3A_2, %mul3A_382 : i32
        %dma_wait3A_384 = arith.constant 1 : i32
        %dma_wait3A_385 = arith.constant 0 : i32
        %dma_wait3A_386 = tpu.memref_slice %arg5[%dma_wait3A_384, %add3A_383, %dma_wait3A_385] : memref<4x8192x768xf32, #tpu.memory_space<hbm>> -> memref<1x16x768xf32, #tpu.memory_space<hbm>>
        %dma_wait3A_387 = tpu.memref_squeeze %dma_wait3A_386 : memref<1x16x768xf32, #tpu.memory_space<hbm>> -> memref<16x768xf32, #tpu.memory_space<hbm>>
        %dma_wait3A_388 = arith.constant 0 : i32
        %dma_wait3A_389 = tpu.memref_slice %arg5[%dma_wait3A_384, %add3A_383, %dma_wait3A_388] : memref<4x8192x768xf32, #tpu.memory_space<hbm>> -> memref<1x16x768xf32, #tpu.memory_space<hbm>>
        %dma_wait3A_390 = tpu.memref_squeeze %dma_wait3A_389 : memref<1x16x768xf32, #tpu.memory_space<hbm>> -> memref<16x768xf32, #tpu.memory_space<hbm>>
        tpu.wait_dma2 semaphore(%arg18 : memref<!tpu.dma_semaphore, #tpu.memory_space<semaphore_mem>>) src(%arg8 : memref<16x768xf32, #tpu.memory_space<vmem>>) dst(%dma_wait3A_390 : memref<16x768xf32, #tpu.memory_space<hbm>>)
        %sub3A_391 = arith.constant 1 : i32
        %sub3A_392 = arith.subi %add3A_270, %sub3A_391 : i32
        %mul3A_393 = arith.constant 16 : i32
        %mul3A_394 = arith.muli %sub3A_392, %mul3A_393 : i32
        %add3A_395 = arith.addi %mul3A_2, %mul3A_394 : i32
        %dma_wait3A_396 = arith.constant 2 : i32
        %dma_wait3A_397 = arith.constant 0 : i32
        %dma_wait3A_398 = tpu.memref_slice %arg5[%dma_wait3A_396, %add3A_395, %dma_wait3A_397] : memref<4x8192x768xf32, #tpu.memory_space<hbm>> -> memref<1x16x768xf32, #tpu.memory_space<hbm>>
        %dma_wait3A_399 = tpu.memref_squeeze %dma_wait3A_398 : memref<1x16x768xf32, #tpu.memory_space<hbm>> -> memref<16x768xf32, #tpu.memory_space<hbm>>
        %dma_wait3A_400 = arith.constant 0 : i32
        %dma_wait3A_401 = tpu.memref_slice %arg5[%dma_wait3A_396, %add3A_395, %dma_wait3A_400] : memref<4x8192x768xf32, #tpu.memory_space<hbm>> -> memref<1x16x768xf32, #tpu.memory_space<hbm>>
        %dma_wait3A_402 = tpu.memref_squeeze %dma_wait3A_401 : memref<1x16x768xf32, #tpu.memory_space<hbm>> -> memref<16x768xf32, #tpu.memory_space<hbm>>
        tpu.wait_dma2 semaphore(%arg19 : memref<!tpu.dma_semaphore, #tpu.memory_space<semaphore_mem>>) src(%arg9 : memref<16x768xf32, #tpu.memory_space<vmem>>) dst(%dma_wait3A_402 : memref<16x768xf32, #tpu.memory_space<hbm>>)
        %sub3A_403 = arith.constant 1 : i32
        %sub3A_404 = arith.subi %add3A_270, %sub3A_403 : i32
        %mul3A_405 = arith.constant 16 : i32
        %mul3A_406 = arith.muli %sub3A_404, %mul3A_405 : i32
        %add3A_407 = arith.addi %mul3A_2, %mul3A_406 : i32
        %dma_wait3A_408 = arith.constant 3 : i32
        %dma_wait3A_409 = arith.constant 0 : i32
        %dma_wait3A_410 = tpu.memref_slice %arg5[%dma_wait3A_408, %add3A_407, %dma_wait3A_409] : memref<4x8192x768xf32, #tpu.memory_space<hbm>> -> memref<1x16x768xf32, #tpu.memory_space<hbm>>
        %dma_wait3A_411 = tpu.memref_squeeze %dma_wait3A_410 : memref<1x16x768xf32, #tpu.memory_space<hbm>> -> memref<16x768xf32, #tpu.memory_space<hbm>>
        %dma_wait3A_412 = arith.constant 0 : i32
        %dma_wait3A_413 = tpu.memref_slice %arg5[%dma_wait3A_408, %add3A_407, %dma_wait3A_412] : memref<4x8192x768xf32, #tpu.memory_space<hbm>> -> memref<1x16x768xf32, #tpu.memory_space<hbm>>
        %dma_wait3A_414 = tpu.memref_squeeze %dma_wait3A_413 : memref<1x16x768xf32, #tpu.memory_space<hbm>> -> memref<16x768xf32, #tpu.memory_space<hbm>>
        tpu.wait_dma2 semaphore(%arg20 : memref<!tpu.dma_semaphore, #tpu.memory_space<semaphore_mem>>) src(%arg10 : memref<16x768xf32, #tpu.memory_space<vmem>>) dst(%dma_wait3A_414 : memref<16x768xf32, #tpu.memory_space<hbm>>)
      } else {
      }
      %lt3A_320 = arith.constant 15 : i32
      %lt3A_321 = arith.cmpi slt, %add3A_270, %lt3A_320 : i32
      %convert_element_type3A_322 = arith.extui %lt3A_321 : i1 to i32
      %cond3A_323 = arith.constant 0 : i32
      %cond3A_324 = arith.cmpi ne, %convert_element_type3A_322, %cond3A_323 : i32
      scf.if %cond3A_324 {
        %add3A_368 = arith.constant 1 : i32
        %add3A_369 = arith.addi %add3A_270, %add3A_368 : i32
        %mul3A_370 = arith.constant 16 : i32
        %mul3A_371 = arith.muli %add3A_369, %mul3A_370 : i32
        %dma_start3A_372 = arith.constant 0 : i32
        %dma_start3A_373 = tpu.memref_slice %arg6[%dma_start3A_372, %mul3A_371] : memref<4x256xi32, #tpu.memory_space<vmem>> -> memref<1x16xi32, #tpu.memory_space<vmem>>
        %dma_start3A_374 = tpu.memref_squeeze %dma_start3A_373 : memref<1x16xi32, #tpu.memory_space<vmem>> -> memref<16xi32, #tpu.memory_space<vmem>>
        %dma_start3A_375 = arith.constant 0 : i32
        %dma_start3A_376 = arith.constant 0 : i32
        %dma_start3A_377 = tpu.memref_slice %arg3[%dma_start3A_375, %dma_start3A_376] : memref<100000x768xf32, #tpu.memory_space<hbm>> -> memref<100000x768xf32, #tpu.memory_space<hbm>>
        tpu.enqueue_indirect_dma source(%dma_start3A_377 : memref<100000x768xf32, #tpu.memory_space<hbm>>) target(%arg7 : memref<16x768xf32, #tpu.memory_space<vmem>>) offsets(%dma_start3A_374 : memref<16xi32, #tpu.memory_space<vmem>>) semaphore(%arg17 : memref<!tpu.dma_semaphore, #tpu.memory_space<semaphore_mem>>)
        %add3A_378 = arith.constant 1 : i32
        %add3A_379 = arith.addi %add3A_270, %add3A_378 : i32
        %mul3A_380 = arith.constant 16 : i32
        %mul3A_381 = arith.muli %add3A_379, %mul3A_380 : i32
        %dma_start3A_382 = arith.constant 1 : i32
        %dma_start3A_383 = tpu.memref_slice %arg6[%dma_start3A_382, %mul3A_381] : memref<4x256xi32, #tpu.memory_space<vmem>> -> memref<1x16xi32, #tpu.memory_space<vmem>>
        %dma_start3A_384 = tpu.memref_squeeze %dma_start3A_383 : memref<1x16xi32, #tpu.memory_space<vmem>> -> memref<16xi32, #tpu.memory_space<vmem>>
        %dma_start3A_385 = arith.constant 0 : i32
        %dma_start3A_386 = arith.constant 0 : i32
        %dma_start3A_387 = tpu.memref_slice %arg3[%dma_start3A_385, %dma_start3A_386] : memref<100000x768xf32, #tpu.memory_space<hbm>> -> memref<100000x768xf32, #tpu.memory_space<hbm>>
        tpu.enqueue_indirect_dma source(%dma_start3A_387 : memref<100000x768xf32, #tpu.memory_space<hbm>>) target(%arg8 : memref<16x768xf32, #tpu.memory_space<vmem>>) offsets(%dma_start3A_384 : memref<16xi32, #tpu.memory_space<vmem>>) semaphore(%arg18 : memref<!tpu.dma_semaphore, #tpu.memory_space<semaphore_mem>>)
        %add3A_388 = arith.constant 1 : i32
        %add3A_389 = arith.addi %add3A_270, %add3A_388 : i32
        %mul3A_390 = arith.constant 16 : i32
        %mul3A_391 = arith.muli %add3A_389, %mul3A_390 : i32
        %dma_start3A_392 = arith.constant 2 : i32
        %dma_start3A_393 = tpu.memref_slice %arg6[%dma_start3A_392, %mul3A_391] : memref<4x256xi32, #tpu.memory_space<vmem>> -> memref<1x16xi32, #tpu.memory_space<vmem>>
        %dma_start3A_394 = tpu.memref_squeeze %dma_start3A_393 : memref<1x16xi32, #tpu.memory_space<vmem>> -> memref<16xi32, #tpu.memory_space<vmem>>
        %dma_start3A_395 = arith.constant 0 : i32
        %dma_start3A_396 = arith.constant 0 : i32
        %dma_start3A_397 = tpu.memref_slice %arg3[%dma_start3A_395, %dma_start3A_396] : memref<100000x768xf32, #tpu.memory_space<hbm>> -> memref<100000x768xf32, #tpu.memory_space<hbm>>
        tpu.enqueue_indirect_dma source(%dma_start3A_397 : memref<100000x768xf32, #tpu.memory_space<hbm>>) target(%arg9 : memref<16x768xf32, #tpu.memory_space<vmem>>) offsets(%dma_start3A_394 : memref<16xi32, #tpu.memory_space<vmem>>) semaphore(%arg19 : memref<!tpu.dma_semaphore, #tpu.memory_space<semaphore_mem>>)
        %add3A_398 = arith.constant 1 : i32
        %add3A_399 = arith.addi %add3A_270, %add3A_398 : i32
        %mul3A_400 = arith.constant 16 : i32
        %mul3A_401 = arith.muli %add3A_399, %mul3A_400 : i32
        %dma_start3A_402 = arith.constant 3 : i32
        %dma_start3A_403 = tpu.memref_slice %arg6[%dma_start3A_402, %mul3A_401] : memref<4x256xi32, #tpu.memory_space<vmem>> -> memref<1x16xi32, #tpu.memory_space<vmem>>
        %dma_start3A_404 = tpu.memref_squeeze %dma_start3A_403 : memref<1x16xi32, #tpu.memory_space<vmem>> -> memref<16xi32, #tpu.memory_space<vmem>>
        %dma_start3A_405 = arith.constant 0 : i32
        %dma_start3A_406 = arith.constant 0 : i32
        %dma_start3A_407 = tpu.memref_slice %arg3[%dma_start3A_405, %dma_start3A_406] : memref<100000x768xf32, #tpu.memory_space<hbm>> -> memref<100000x768xf32, #tpu.memory_space<hbm>>
        tpu.enqueue_indirect_dma source(%dma_start3A_407 : memref<100000x768xf32, #tpu.memory_space<hbm>>) target(%arg10 : memref<16x768xf32, #tpu.memory_space<vmem>>) offsets(%dma_start3A_404 : memref<16xi32, #tpu.memory_space<vmem>>) semaphore(%arg20 : memref<!tpu.dma_semaphore, #tpu.memory_space<semaphore_mem>>)
      } else {
      }
      %parallel_loop3A_325 = arith.constant 0 : i32
      %parallel_loop3A_326 = arith.constant 16 : i32
      %parallel_loop3A_327 = arith.constant 1 : i32
      scf.for %parallel_loop3A_368 = %parallel_loop3A_325 to %parallel_loop3A_326 step %parallel_loop3A_327  : i32 {
        %parallel_loop3A_369 = arith.constant 0 : i32
        %parallel_loop3A_370 = arith.constant 768 : i32
        %parallel_loop3A_371 = arith.constant 16 : i32
        scf.for %parallel_loop3A_372 = %parallel_loop3A_369 to %parallel_loop3A_370 step %parallel_loop3A_371  : i32 {
          %parallel_loop3A_373 = arith.index_cast %parallel_loop3A_368 : i32 to index
          %parallel_loop3A_374 = arith.index_cast %parallel_loop3A_372 : i32 to index
          %parallel_loop3A_375 = tpu.vector_load %arg16[%parallel_loop3A_373, %parallel_loop3A_374] {strides = array<i32>} : memref<16x768xf32, #tpu.memory_space<vmem>>, vector<1x16xf32>,
          %parallel_loop3A_376 = vector.shape_cast %parallel_loop3A_375 : vector<1x16xf32> to vector<16xf32>
          %parallel_loop3A_377 = arith.index_cast %parallel_loop3A_368 : i32 to index
          %parallel_loop3A_378 = arith.index_cast %parallel_loop3A_372 : i32 to index
          %parallel_loop3A_379 = tpu.vector_load %arg11[%parallel_loop3A_377, %parallel_loop3A_378] {strides = array<i32>} : memref<16x768xf32, #tpu.memory_space<vmem>>, vector<1x16xf32>,
          %parallel_loop3A_380 = vector.shape_cast %parallel_loop3A_379 : vector<1x16xf32> to vector<16xf32>
          %parallel_loop3A_381 = arith.constant 27.7128124 : f32
          %parallel_loop3A_382 = vector.broadcast %parallel_loop3A_381 : f32 to vector<16xf32>
          %parallel_loop3A_383 = arith.mulf %parallel_loop3A_380, %parallel_loop3A_382 : vector<16xf32>
          %parallel_loop3A_384 = arith.addf %parallel_loop3A_383, %parallel_loop3A_376 : vector<16xf32>
          %parallel_loop3A_385 = arith.index_cast %parallel_loop3A_368 : i32 to index
          %parallel_loop3A_386 = arith.index_cast %parallel_loop3A_372 : i32 to index
          %parallel_loop3A_387 = tpu.vector_load %arg11[%parallel_loop3A_385, %parallel_loop3A_386] {strides = array<i32>} : memref<16x768xf32, #tpu.memory_space<vmem>>, vector<1x16xf32>,
          %parallel_loop3A_388 = vector.shape_cast %parallel_loop3A_387 : vector<1x16xf32> to vector<16xf32>
          %parallel_loop3A_389 = vector.shape_cast %parallel_loop3A_384 : vector<16xf32> to vector<1x16xf32>
          tpu.vector_store %arg11[%parallel_loop3A_385, %parallel_loop3A_386], %parallel_loop3A_389 {strides = array<i32>} : memref<16x768xf32, #tpu.memory_space<vmem>>, vector<1x16xf32>,
          %parallel_loop3A_390 = arith.index_cast %parallel_loop3A_368 : i32 to index
          %parallel_loop3A_391 = arith.index_cast %parallel_loop3A_372 : i32 to index
          %parallel_loop3A_392 = tpu.vector_load %arg12[%parallel_loop3A_390, %parallel_loop3A_391] {strides = array<i32>} : memref<16x768xf32, #tpu.memory_space<vmem>>, vector<1x16xf32>,
          %parallel_loop3A_393 = vector.shape_cast %parallel_loop3A_392 : vector<1x16xf32> to vector<16xf32>
          %parallel_loop3A_394 = arith.constant 27.7128124 : f32
          %parallel_loop3A_395 = vector.broadcast %parallel_loop3A_394 : f32 to vector<16xf32>
          %parallel_loop3A_396 = arith.mulf %parallel_loop3A_393, %parallel_loop3A_395 : vector<16xf32>
          %parallel_loop3A_397 = arith.addf %parallel_loop3A_396, %parallel_loop3A_376 : vector<16xf32>
          %parallel_loop3A_398 = arith.index_cast %parallel_loop3A_368 : i32 to index
          %parallel_loop3A_399 = arith.index_cast %parallel_loop3A_372 : i32 to index
          %parallel_loop3A_400 = tpu.vector_load %arg12[%parallel_loop3A_398, %parallel_loop3A_399] {strides = array<i32>} : memref<16x768xf32, #tpu.memory_space<vmem>>, vector<1x16xf32>,
          %parallel_loop3A_401 = vector.shape_cast %parallel_loop3A_400 : vector<1x16xf32> to vector<16xf32>
          %parallel_loop3A_402 = vector.shape_cast %parallel_loop3A_397 : vector<16xf32> to vector<1x16xf32>
          tpu.vector_store %arg12[%parallel_loop3A_398, %parallel_loop3A_399], %parallel_loop3A_402 {strides = array<i32>} : memref<16x768xf32, #tpu.memory_space<vmem>>, vector<1x16xf32>,
          %parallel_loop3A_403 = arith.index_cast %parallel_loop3A_368 : i32 to index
          %parallel_loop3A_404 = arith.index_cast %parallel_loop3A_372 : i32 to index
          %parallel_loop3A_405 = tpu.vector_load %arg13[%parallel_loop3A_403, %parallel_loop3A_404] {strides = array<i32>} : memref<16x768xf32, #tpu.memory_space<vmem>>, vector<1x16xf32>,
          %parallel_loop3A_406 = vector.shape_cast %parallel_loop3A_405 : vector<1x16xf32> to vector<16xf32>
          %parallel_loop3A_407 = arith.constant 27.7128124 : f32
          %parallel_loop3A_408 = vector.broadcast %parallel_loop3A_407 : f32 to vector<16xf32>
          %parallel_loop3A_409 = arith.mulf %parallel_loop3A_406, %parallel_loop3A_408 : vector<16xf32>
          %parallel_loop3A_410 = arith.addf %parallel_loop3A_409, %parallel_loop3A_376 : vector<16xf32>
          %parallel_loop3A_411 = arith.index_cast %parallel_loop3A_368 : i32 to index
          %parallel_loop3A_412 = arith.index_cast %parallel_loop3A_372 : i32 to index
          %parallel_loop3A_413 = tpu.vector_load %arg13[%parallel_loop3A_411, %parallel_loop3A_412] {strides = array<i32>} : memref<16x768xf32, #tpu.memory_space<vmem>>, vector<1x16xf32>,
          %parallel_loop3A_414 = vector.shape_cast %parallel_loop3A_413 : vector<1x16xf32> to vector<16xf32>
          %parallel_loop3A_415 = vector.shape_cast %parallel_loop3A_410 : vector<16xf32> to vector<1x16xf32>
          tpu.vector_store %arg13[%parallel_loop3A_411, %parallel_loop3A_412], %parallel_loop3A_415 {strides = array<i32>} : memref<16x768xf32, #tpu.memory_space<vmem>>, vector<1x16xf32>,
          %parallel_loop3A_416 = arith.index_cast %parallel_loop3A_368 : i32 to index
          %parallel_loop3A_417 = arith.index_cast %parallel_loop3A_372 : i32 to index
          %parallel_loop3A_418 = tpu.vector_load %arg14[%parallel_loop3A_416, %parallel_loop3A_417] {strides = array<i32>} : memref<16x768xf32, #tpu.memory_space<vmem>>, vector<1x16xf32>,
          %parallel_loop3A_419 = vector.shape_cast %parallel_loop3A_418 : vector<1x16xf32> to vector<16xf32>
          %parallel_loop3A_420 = arith.constant 27.7128124 : f32
          %parallel_loop3A_421 = vector.broadcast %parallel_loop3A_420 : f32 to vector<16xf32>
          %parallel_loop3A_422 = arith.mulf %parallel_loop3A_419, %parallel_loop3A_421 : vector<16xf32>
          %parallel_loop3A_423 = arith.addf %parallel_loop3A_422, %parallel_loop3A_376 : vector<16xf32>
          %parallel_loop3A_424 = arith.index_cast %parallel_loop3A_368 : i32 to index
          %parallel_loop3A_425 = arith.index_cast %parallel_loop3A_372 : i32 to index
          %parallel_loop3A_426 = tpu.vector_load %arg14[%parallel_loop3A_424, %parallel_loop3A_425] {strides = array<i32>} : memref<16x768xf32, #tpu.memory_space<vmem>>, vector<1x16xf32>,
          %parallel_loop3A_427 = vector.shape_cast %parallel_loop3A_426 : vector<1x16xf32> to vector<16xf32>
          %parallel_loop3A_428 = vector.shape_cast %parallel_loop3A_423 : vector<16xf32> to vector<1x16xf32>
          tpu.vector_store %arg14[%parallel_loop3A_424, %parallel_loop3A_425], %parallel_loop3A_428 {strides = array<i32>} : memref<16x768xf32, #tpu.memory_space<vmem>>, vector<1x16xf32>,
        } {sc.loop_unroll_factor = 4 : i64, sc.parallel_access}
      } {sc.loop_unroll_factor = 1 : i64, sc.parallel_access}
      %mul3A_328 = arith.constant 16 : i32
      %mul3A_329 = arith.muli %add3A_270, %mul3A_328 : i32
      %add3A_330 = arith.addi %mul3A_2, %mul3A_329 : i32
      %dma_start3A_331 = arith.constant 0 : i32
      %dma_start3A_332 = arith.constant 0 : i32
      %dma_start3A_333 = tpu.memref_slice %arg5[%dma_start3A_331, %add3A_330, %dma_start3A_332] : memref<4x8192x768xf32, #tpu.memory_space<hbm>> -> memref<1x16x768xf32, #tpu.memory_space<hbm>>
      %dma_start3A_334 = tpu.memref_squeeze %dma_start3A_333 : memref<1x16x768xf32, #tpu.memory_space<hbm>> -> memref<16x768xf32, #tpu.memory_space<hbm>>
      %dma_start3A_335 = arith.constant 0 : i32
      %dma_start3A_336 = tpu.memref_slice %arg5[%dma_start3A_331, %add3A_330, %dma_start3A_335] : memref<4x8192x768xf32, #tpu.memory_space<hbm>> -> memref<1x16x768xf32, #tpu.memory_space<hbm>>
      %dma_start3A_337 = tpu.memref_squeeze %dma_start3A_336 : memref<1x16x768xf32, #tpu.memory_space<hbm>> -> memref<16x768xf32, #tpu.memory_space<hbm>>
      tpu.enqueue_dma source(%arg11 : memref<16x768xf32, #tpu.memory_space<vmem>>) target(%dma_start3A_337 : memref<16x768xf32, #tpu.memory_space<hbm>>) target_semaphore(%arg21 : memref<!tpu.dma_semaphore, #tpu.memory_space<semaphore_mem>>)
      %mul3A_338 = arith.constant 16 : i32
      %mul3A_339 = arith.muli %add3A_270, %mul3A_338 : i32
      %add3A_340 = arith.addi %mul3A_2, %mul3A_339 : i32
      %dma_start3A_341 = arith.constant 1 : i32
      %dma_start3A_342 = arith.constant 0 : i32
      %dma_start3A_343 = tpu.memref_slice %arg5[%dma_start3A_341, %add3A_340, %dma_start3A_342] : memref<4x8192x768xf32, #tpu.memory_space<hbm>> -> memref<1x16x768xf32, #tpu.memory_space<hbm>>
      %dma_start3A_344 = tpu.memref_squeeze %dma_start3A_343 : memref<1x16x768xf32, #tpu.memory_space<hbm>> -> memref<16x768xf32, #tpu.memory_space<hbm>>
      %dma_start3A_345 = arith.constant 0 : i32
      %dma_start3A_346 = tpu.memref_slice %arg5[%dma_start3A_341, %add3A_340, %dma_start3A_345] : memref<4x8192x768xf32, #tpu.memory_space<hbm>> -> memref<1x16x768xf32, #tpu.memory_space<hbm>>
      %dma_start3A_347 = tpu.memref_squeeze %dma_start3A_346 : memref<1x16x768xf32, #tpu.memory_space<hbm>> -> memref<16x768xf32, #tpu.memory_space<hbm>>
      tpu.enqueue_dma source(%arg12 : memref<16x768xf32, #tpu.memory_space<vmem>>) target(%dma_start3A_347 : memref<16x768xf32, #tpu.memory_space<hbm>>) target_semaphore(%arg22 : memref<!tpu.dma_semaphore, #tpu.memory_space<semaphore_mem>>)
      %mul3A_348 = arith.constant 16 : i32
      %mul3A_349 = arith.muli %add3A_270, %mul3A_348 : i32
      %add3A_350 = arith.addi %mul3A_2, %mul3A_349 : i32
      %dma_start3A_351 = arith.constant 2 : i32
      %dma_start3A_352 = arith.constant 0 : i32
      %dma_start3A_353 = tpu.memref_slice %arg5[%dma_start3A_351, %add3A_350, %dma_start3A_352] : memref<4x8192x768xf32, #tpu.memory_space<hbm>> -> memref<1x16x768xf32, #tpu.memory_space<hbm>>
      %dma_start3A_354 = tpu.memref_squeeze %dma_start3A_353 : memref<1x16x768xf32, #tpu.memory_space<hbm>> -> memref<16x768xf32, #tpu.memory_space<hbm>>
      %dma_start3A_355 = arith.constant 0 : i32
      %dma_start3A_356 = tpu.memref_slice %arg5[%dma_start3A_351, %add3A_350, %dma_start3A_355] : memref<4x8192x768xf32, #tpu.memory_space<hbm>> -> memref<1x16x768xf32, #tpu.memory_space<hbm>>
      %dma_start3A_357 = tpu.memref_squeeze %dma_start3A_356 : memref<1x16x768xf32, #tpu.memory_space<hbm>> -> memref<16x768xf32, #tpu.memory_space<hbm>>
      tpu.enqueue_dma source(%arg13 : memref<16x768xf32, #tpu.memory_space<vmem>>) target(%dma_start3A_357 : memref<16x768xf32, #tpu.memory_space<hbm>>) target_semaphore(%arg23 : memref<!tpu.dma_semaphore, #tpu.memory_space<semaphore_mem>>)
      %mul3A_358 = arith.constant 16 : i32
      %mul3A_359 = arith.muli %add3A_270, %mul3A_358 : i32
      %add3A_360 = arith.addi %mul3A_2, %mul3A_359 : i32
      %dma_start3A_361 = arith.constant 3 : i32
      %dma_start3A_362 = arith.constant 0 : i32
      %dma_start3A_363 = tpu.memref_slice %arg5[%dma_start3A_361, %add3A_360, %dma_start3A_362] : memref<4x8192x768xf32, #tpu.memory_space<hbm>> -> memref<1x16x768xf32, #tpu.memory_space<hbm>>
      %dma_start3A_364 = tpu.memref_squeeze %dma_start3A_363 : memref<1x16x768xf32, #tpu.memory_space<hbm>> -> memref<16x768xf32, #tpu.memory_space<hbm>>
      %dma_start3A_365 = arith.constant 0 : i32
      %dma_start3A_366 = tpu.memref_slice %arg5[%dma_start3A_361, %add3A_360, %dma_start3A_365] : memref<4x8192x768xf32, #tpu.memory_space<hbm>> -> memref<1x16x768xf32, #tpu.memory_space<hbm>>
      %dma_start3A_367 = tpu.memref_squeeze %dma_start3A_366 : memref<1x16x768xf32, #tpu.memory_space<hbm>> -> memref<16x768xf32, #tpu.memory_space<hbm>>
      tpu.enqueue_dma source(%arg14 : memref<16x768xf32, #tpu.memory_space<vmem>>) target(%dma_start3A_367 : memref<16x768xf32, #tpu.memory_space<hbm>>) target_semaphore(%arg24 : memref<!tpu.dma_semaphore, #tpu.memory_space<semaphore_mem>>)
    }
    %scan3A_135 = arith.constant 8 : i32
    %add3A_136 = arith.constant 240 : i32
    %add3A_137 = arith.addi %mul3A_2, %add3A_136 : i32
    %dma_wait3A_138 = arith.constant 0 : i32
    %dma_wait3A_139 = arith.constant 0 : i32
    %dma_wait3A_140 = tpu.memref_slice %arg5[%dma_wait3A_138, %add3A_137, %dma_wait3A_139] : memref<4x8192x768xf32, #tpu.memory_space<hbm>> -> memref<1x16x768xf32, #tpu.memory_space<hbm>>
    %dma_wait3A_141 = tpu.memref_squeeze %dma_wait3A_140 : memref<1x16x768xf32, #tpu.memory_space<hbm>> -> memref<16x768xf32, #tpu.memory_space<hbm>>
    %dma_wait3A_142 = arith.constant 0 : i32
    %dma_wait3A_143 = tpu.memref_slice %arg5[%dma_wait3A_138, %add3A_137, %dma_wait3A_142] : memref<4x8192x768xf32, #tpu.memory_space<hbm>> -> memref<1x16x768xf32, #tpu.memory_space<hbm>>
    %dma_wait3A_144 = tpu.memref_squeeze %dma_wait3A_143 : memref<1x16x768xf32, #tpu.memory_space<hbm>> -> memref<16x768xf32, #tpu.memory_space<hbm>>
    tpu.wait_dma2 semaphore(%arg21 : memref<!tpu.dma_semaphore, #tpu.memory_space<semaphore_mem>>) src(%arg11 : memref<16x768xf32, #tpu.memory_space<vmem>>) dst(%dma_wait3A_144 : memref<16x768xf32, #tpu.memory_space<hbm>>)
    %add3A_145 = arith.constant 240 : i32
    %add3A_146 = arith.addi %mul3A_2, %add3A_145 : i32
    %dma_wait3A_147 = arith.constant 1 : i32
    %dma_wait3A_148 = arith.constant 0 : i32
    %dma_wait3A_149 = tpu.memref_slice %arg5[%dma_wait3A_147, %add3A_146, %dma_wait3A_148] : memref<4x8192x768xf32, #tpu.memory_space<hbm>> -> memref<1x16x768xf32, #tpu.memory_space<hbm>>
    %dma_wait3A_150 = tpu.memref_squeeze %dma_wait3A_149 : memref<1x16x768xf32, #tpu.memory_space<hbm>> -> memref<16x768xf32, #tpu.memory_space<hbm>>
    %dma_wait3A_151 = arith.constant 0 : i32
    %dma_wait3A_152 = tpu.memref_slice %arg5[%dma_wait3A_147, %add3A_146, %dma_wait3A_151] : memref<4x8192x768xf32, #tpu.memory_space<hbm>> -> memref<1x16x768xf32, #tpu.memory_space<hbm>>
    %dma_wait3A_153 = tpu.memref_squeeze %dma_wait3A_152 : memref<1x16x768xf32, #tpu.memory_space<hbm>> -> memref<16x768xf32, #tpu.memory_space<hbm>>
    tpu.wait_dma2 semaphore(%arg22 : memref<!tpu.dma_semaphore, #tpu.memory_space<semaphore_mem>>) src(%arg12 : memref<16x768xf32, #tpu.memory_space<vmem>>) dst(%dma_wait3A_153 : memref<16x768xf32, #tpu.memory_space<hbm>>)
    %add3A_154 = arith.constant 240 : i32
    %add3A_155 = arith.addi %mul3A_2, %add3A_154 : i32
    %dma_wait3A_156 = arith.constant 2 : i32
    %dma_wait3A_157 = arith.constant 0 : i32
    %dma_wait3A_158 = tpu.memref_slice %arg5[%dma_wait3A_156, %add3A_155, %dma_wait3A_157] : memref<4x8192x768xf32, #tpu.memory_space<hbm>> -> memref<1x16x768xf32, #tpu.memory_space<hbm>>
    %dma_wait3A_159 = tpu.memref_squeeze %dma_wait3A_158 : memref<1x16x768xf32, #tpu.memory_space<hbm>> -> memref<16x768xf32, #tpu.memory_space<hbm>>
    %dma_wait3A_160 = arith.constant 0 : i32
    %dma_wait3A_161 = tpu.memref_slice %arg5[%dma_wait3A_156, %add3A_155, %dma_wait3A_160] : memref<4x8192x768xf32, #tpu.memory_space<hbm>> -> memref<1x16x768xf32, #tpu.memory_space<hbm>>
    %dma_wait3A_162 = tpu.memref_squeeze %dma_wait3A_161 : memref<1x16x768xf32, #tpu.memory_space<hbm>> -> memref<16x768xf32, #tpu.memory_space<hbm>>
    tpu.wait_dma2 semaphore(%arg23 : memref<!tpu.dma_semaphore, #tpu.memory_space<semaphore_mem>>) src(%arg13 : memref<16x768xf32, #tpu.memory_space<vmem>>) dst(%dma_wait3A_162 : memref<16x768xf32, #tpu.memory_space<hbm>>)
    %add3A_163 = arith.constant 240 : i32
    %add3A_164 = arith.addi %mul3A_2, %add3A_163 : i32
    %dma_wait3A_165 = arith.constant 3 : i32
    %dma_wait3A_166 = arith.constant 0 : i32
    %dma_wait3A_167 = tpu.memref_slice %arg5[%dma_wait3A_165, %add3A_164, %dma_wait3A_166] : memref<4x8192x768xf32, #tpu.memory_space<hbm>> -> memref<1x16x768xf32, #tpu.memory_space<hbm>>
    %dma_wait3A_168 = tpu.memref_squeeze %dma_wait3A_167 : memref<1x16x768xf32, #tpu.memory_space<hbm>> -> memref<16x768xf32, #tpu.memory_space<hbm>>
    %dma_wait3A_169 = arith.constant 0 : i32
    %dma_wait3A_170 = tpu.memref_slice %arg5[%dma_wait3A_165, %add3A_164, %dma_wait3A_169] : memref<4x8192x768xf32, #tpu.memory_space<hbm>> -> memref<1x16x768xf32, #tpu.memory_space<hbm>>
    %dma_wait3A_171 = tpu.memref_squeeze %dma_wait3A_170 : memref<1x16x768xf32, #tpu.memory_space<hbm>> -> memref<16x768xf32, #tpu.memory_space<hbm>>
    tpu.wait_dma2 semaphore(%arg24 : memref<!tpu.dma_semaphore, #tpu.memory_space<semaphore_mem>>) src(%arg14 : memref<16x768xf32, #tpu.memory_space<vmem>>) dst(%dma_wait3A_171 : memref<16x768xf32, #tpu.memory_space<hbm>>)
    return
  }
}

</mosaic_0001>

<sc_bundles>
// kernel: kernel.3.cloned.1.call-start
scs
__scs_entry_jumppad:
0x0: {  	(pc) =	sbr.rel $0x88, $3  }
0x1: {  	(tag) =	ssettag $0x0;
	lr =	simm.s32 $0x1  }
0x2: {  	[smem:$0x3F9F] =	sst lr;
	_ =	strace $0xD0000000  }
0x3: {  	_ = 	snop  }
0x4: {  	_ = 	snop  }
0x5: {  	_ = 	snop  }
0x6: {  	_ = 	snop  }
0x7: {  	_ = 	snop  }
__scs_overlays_trampoline_lowered:
0x8: {  	[smem:$0x3FAE] =	sst s0  }
0x9: {  	[smem:$0x3FAF] =	sst s1  }
0xa: {  	[smem:$0x3FB0] =	sst s2  }
0xb: {  	[smem:$0x3FB1] =	sst s3  }
0xc: {  	[smem:$0x3FB2] =	sst s4  }
0xd: {  	[smem:$0x3FB3] =	sst s5  }
0xe: {  	[smem:$0x3FB4] =	sst s6  }
0xf: {  	[smem:$0x3FB5] =	sst s7  }
0x10: {  	[smem:$0x3FB6] =	sst s8  }
0x11: {  	[smem:$0x3FB7] =	sst s9;
	s0 =	simm.s32 @!p0 $0x0  }
0x12: {  	s1 =	sld [smem:$0x3F9D];
	s0 =	simm.s32 @p0 $0x1  }
0x13: {  	[smem:$0x3FB8] =	sst s0;
	s0 =	simm.s32 @!p1 $0x0  }
0x14: {  	s2 =	sld [smem:$0x3F9C];
	s0 =	simm.s32 @p1 $0x1  }
0x15: {  	[smem:$0x3FB9] =	sst s0;
	s0 =	simm.s32 @!p2 $0x0  }
0x16: {  	s3 =	sld [smem:$0x3FDB];
	s0 =	simm.s32 @p2 $0x1  }
0x17: {  	s4 =	simm.s32 $0x1BF5;
	[smem:$0x3FBB] =	sst s0  }
0x18: {  	s0 =	sld [smem:$0x3F9E];
	_ =	swait.ge [sflag:s4], $0x0  }
0x19: {  	s7 =	sld [smem:$0x3F9F]  }
0x1a: {  	s8 =	sadd.s32 $0xFFFFE003, lr  }
0x1b: {  	s9 =	sadd.s32 $0xFFFFFEF7, lr;
	s5 =	simm.s32 $0xFFFFFFFF;
	p2 =	slt.u32 s8, $0xFFFFF086  }
0x1c: {  	p1 =	slt.u32 s9, $0xF7A;
	s5 =	simm.s32 @!p2 $0x0  }
0x1d: {  	s5 =	simm.s32 @p1 $0x1;
	p0 =	seq.s32 s7, s2  }
0x1e: {  	s7 =	smul.u32 @!p0 $0xF7A, s2;
	p2 =	seq.s32 @!p0 s5, $0x0  }
0x1f: {  	s9 =	smul.u32 $0xF7A, s1;
	s8 =	simm.s32 @!p0 $0x1BF5;
	p2 =	por !p2, p0  }
0x20: {  	[sflag:s8] =	ssyncset.s32 @!p0 $0xFFFFF086;
	s6 =	sadd.s32 @!p0 s3, s7;
	s7 =	simm.s32 @!p0 $0x108  }
0x21: {  	s3 =	sadd.s32 s3, s9;
	s6 =	sadd.s32 @!p0 $0x88, s6;
	s7 =	simm.s32 @p2 $0x1082  }
0x22: {  	[simem:s7], [sflag:s8] =	dma.local @!p0 [hbm:s6], $0xF7A  }
0x23: {  	s9 =	sor.u32 $0xD0000000, s2;
	s6 =	simm.s32 $0x108;
	_ =	swait.ge @!p0 [sflag:s8], $0x0  }
0x24: {  	s3 =	sadd.s32 $0x88, s3;
	s6 =	simm.s32 @!p1 $0x1082;
	[sflag:s4] =	ssyncset.s32 $0xFFFFF086  }
0x25: {  	[simem:s6], [sflag:s4] =	dma.local [hbm:s3], $0xF7A  }
0x26: {  	[smem:$0x3F9F] =	sst s1;
	(tag) =	ssettag s2;
	_ =	strace s9  }
0x27: {  	s1 =	sld [smem:$0x3FAF]  }
0x28: {  	s2 =	sld [smem:$0x3FB0]  }
0x29: {  	s4 =	sld [smem:$0x3FB2]  }
0x2a: {  	p0 =	seq.s32 s5, $0x0;
	s5 =	sld [smem:$0x3FB3]  }
0x2b: {  	s6 =	sld [smem:$0x3FB4]  }
0x2c: {  	s7 =	sld [smem:$0x3FB5]  }
0x2d: {  	s3 =	simm.s32 $0x108;
	s8 =	sld [smem:$0x3FB6]  }
0x2e: {  	s3 =	simm.s32 @!p0 $0x1082;
	s9 =	sld [smem:$0x3FB7]  }
0x2f: {  	lr =	sadd.s32 s0, s3;
	s0 =	sld [smem:$0x3FAE]  }
0x30: {  	s3 =	sld [smem:$0x3FB1]  }
0x31: {  	[smem:$0x3FBA] =	sst s10  }
0x32: {  	s10 =	sld [smem:$0x3FB8];
	_ =	sdelay $0x3  }
0x33: {  	p0 =	seq.s32 s10, $0x1;
	s10 =	sld [smem:$0x3FBA];
	_ =	sdelay $0x3  }
0x34: {  	[smem:$0x3FBA] =	sst s10  }
0x35: {  	s10 =	sld [smem:$0x3FB9];
	_ =	sdelay $0x3  }
0x36: {  	p1 =	seq.s32 s10, $0x1;
	s10 =	sld [smem:$0x3FBA];
	_ =	sdelay $0x3  }
0x37: {  	[smem:$0x3FBA] =	sst s10  }
0x38: {  	s10 =	sld [smem:$0x3FBB]  }
0x39: {  	_ = 	snop;
	(pc) =	sbr.ind lr, $3  }
0x3a: {  	_ = 	snop  }
0x3b: {  	_ = 	snop  }
0x3c: {  	p2 =	seq.s32 s10, $0x1;
	s10 =	sld [smem:$0x3FBA]  }
0x3d: {  	_ =	shalt  }
0x3e: {  	_ =	shalt  }
0x3f: {  	_ =	shalt  }
0x40: {  	_ =	shalt  }
0x41: {  	_ =	shalt  }
0x42: {  	_ =	shalt  }
0x43: {  	_ =	shalt  }
0x44: {  	_ =	shalt  }
0x45: {  	_ =	shalt  }
0x46: {  	_ =	shalt  }
0x47: {  	_ =	shalt  }
0x48: {  	_ =	shalt  }
0x49: {  	_ =	shalt  }
0x4a: {  	_ =	shalt  }
0x4b: {  	_ =	shalt  }
0x4c: {  	_ =	shalt  }
0x4d: {  	_ =	shalt  }
0x4e: {  	_ =	shalt  }
0x4f: {  	_ =	shalt  }
0x50: {  	_ =	shalt  }
0x51: {  	_ =	shalt  }
0x52: {  	_ =	shalt  }
0x53: {  	_ =	shalt  }
0x54: {  	_ =	shalt  }
0x55: {  	_ =	shalt  }
0x56: {  	_ =	shalt  }
0x57: {  	_ =	shalt  }
0x58: {  	_ =	shalt  }
0x59: {  	_ =	shalt  }
0x5a: {  	_ =	shalt  }
0x5b: {  	_ =	shalt  }
0x5c: {  	_ =	shalt  }
0x5d: {  	_ =	shalt  }
0x5e: {  	_ =	shalt  }
0x5f: {  	_ =	shalt  }
0x60: {  	_ =	shalt  }
0x61: {  	_ =	shalt  }
0x62: {  	_ =	shalt  }
0x63: {  	_ =	shalt  }
0x64: {  	_ =	shalt  }
0x65: {  	_ =	shalt  }
0x66: {  	_ =	shalt  }
0x67: {  	_ =	shalt  }
0x68: {  	_ =	shalt  }
0x69: {  	_ =	shalt  }
0x6a: {  	_ =	shalt  }
0x6b: {  	_ =	shalt  }
0x6c: {  	_ =	shalt  }
0x6d: {  	_ =	shalt  }
0x6e: {  	_ =	shalt  }
0x6f: {  	_ =	shalt  }
0x70: {  	_ =	shalt  }
0x71: {  	_ =	shalt  }
0x72: {  	_ =	shalt  }
0x73: {  	_ =	shalt  }
0x74: {  	_ =	shalt  }
0x75: {  	_ =	shalt  }
0x76: {  	_ =	shalt  }
0x77: {  	_ =	shalt  }
0x78: {  	_ =	shalt  }
0x79: {  	_ =	shalt  }
0x7a: {  	_ =	shalt  }
0x7b: {  	_ =	shalt  }
0x7c: {  	_ =	shalt  }
0x7d: {  	_ =	shalt  }
0x7e: {  	_ =	shalt  }
0x7f: {  	_ =	shalt  }
0x80: {  	_ =	shalt  }
0x81: {  	_ =	shalt  }
0x82: {  	_ =	shalt  }
0x83: {  	_ =	shalt  }
0x84: {  	_ =	shalt  }
0x85: {  	_ =	shalt  }
0x86: {  	_ =	shalt  }
0x87: {  	_ =	shalt  }
.Lfunc_end0:
.L_simem_size_0:
called_computation_lowered:
.L_overlay_start_0:
0x88: {  	s2 =	sld [smem:$0x3FD9]  }
0x89: {  	s3 =	sld [smem:$0x3FFE];
	_ =	sdelay $0x1  }
0x8a: {  	s1 =	srdreg.scid  }
0x8b: {  	s0 =	sand.u32 $0x1, s1  }
0x8c: {  	s17 =	sshll.u32 s0, $0xA;
	s2 =	sadd.s32 s3, s2  }
0x8d: {  	s2 =	sadd.s32 s2, s17  }
0x8e: {  	[smem:$0x3FC6] =	sst s2  }
0x8f: {  	_ = 	snop  }
0x90: {  	s2 =	sld [smem:$0x3FC9]  }
0x91: {  	s18 =	sld [smem:$0x3FC8]  }
0x92: {  	s4 =	sld [smem:$0x3FD0];
	(tm) =	ssettm $0x1  }
0x93: {  	s5 =	sld [smem:$0x3FFB];
	_ =	sdelay $0x3  }
0x94: {  	_ =	strace s5  }
0x95: {  	s5 =	sld [smem:$0x3FFC];
	_ =	sdelay $0x3  }
0x96: {  	_ =	strace s5  }
0x97: {  	s5 =	sld [smem:$0x3FFD];
	_ =	sdelay $0x3  }
0x98: {  	_ =	strace s5  }
0x99: {  	_ =	strace $0x8FFFFFFF  }
0x9a: {  	s19 =	sld [smem:$0x3FDB];
	_ =	sdelay $0x1  }
0x9b: {  	s6 =	simm.s32 $_scs_section_size  }
0x9c: {  	s7 =	simm.s32 $_size__tile_overlayer_lowered;
	s8 =	simm.s32 $_tile_overlayer_lowered  }
0x9d: {  	s22 =	simm.s32 $0x1BFF;
	s21 =	sshll.u32 s8, $0x1;
	s5 =	sadd.s32 s6, s19  }
0x9e: {  	s9 =	simm.s32 $0x0;
	s20 =	sshll.u32 s7, $0x1;
	s7 =	sadd.s32 s21, s5  }
0x9f: {  	[timem:s9], [sflag:s22] =	dma.local [hbm:s7], s20  }
0xa0: {  	_ =	swait.ge [sflag:s22], s20  }
0xa1: {  	s6 =	ssub.s32 $0x0, s20;
	[sflag:s22] =	ssyncset.done $0x0  }
0xa2: {  	[sflag:s22] =	ssyncadd.s32 s6;
	_ =	sdelay $0x1  }
0xa3: {  	s23 =	simm.s32 $0x1B8B  }
0xa4: {  	_ =	swait.ge [sflag:s23], $0x1  }
0xa5: {  	[sflag:s23] =	ssyncset.done $0x0  }
0xa6: {  	s25 =	simm.s32 $0x1B8E;
	s24 =	sld [smem:$0x3FFE];
	[sflag:s23] =	ssyncadd.s32 $0xFFFFFFFF  }
0xa7: {  	s26 =	simm.s32 $execute0_lowered;
	[smem:$0x3FD2] =	sst s25  }
0xa8: {  	s7 =	sshll.u32 s26, $0x1;
	_ =	strace $0x80000046;
	[dreg:$0x1] =	wrdreg $0xFFFFFFFF  }
0xa9: {  	s28 =	simm.s32 $_size_execute0_lowered;
	s5 =	sadd.s32 s5, s7;
	[dreg:$0x0] =	wrdreg $0x0  }
0xaa: {  	s7 =	sshll.u32 s28, $0x1;
	[dreg:$0x2] =	wrdreg s5  }
0xab: {  	[dreg:$0x3] =	wrdreg s7  }
0xac: {  	[dreg:$0x4] =	wrdreg $0xC0  }
0xad: {  	_ =	task [dreg:s9], $0x5FFFF  }
0xae: {  	[dreg:$0x1] =	wrdreg $0xFFFFFFFF  }
0xaf: {  	[dreg:$0x0] =	wrdreg $0x60  }
0xb0: {  	[dreg:$0x2] =	wrdreg s2  }
0xb1: {  	[dreg:$0x3] =	wrdreg s18  }
0xb2: {  	[dreg:$0x4] =	wrdreg s24  }
0xb3: {  	[dreg:$0x5] =	wrdreg s4  }
0xb4: {  	[dreg:$0x6] =	wrdreg $0x9  }
0xb5: {  	_ =	task.clear_ibuf [dreg:s9], $0x7FFFF;
	_ =	strace $0x90000046  }
0xb6: {  	s29 =	simm.s32 $0x9;
	_ =	strace $0x80000048  }
0xb7: {  	_ =	swait.ge [sflag:s29], $0x1  }
0xb8: {  	[sflag:s29] =	ssyncadd.s32 $0xFFFFFFFF  }
0xb9: {  	_ =	strace $0x90000048  }
0xba: {  	_ =	sfence  }
0xbb: {  	s30 =	sld [smem:$0x0];
	_ =	sdelay $0x2  }
0xbc: {  	s31 =	sshll.u32 s1, $0xD;
	s1 =	sshrl.u32 s1, $0x2  }
0xbd: {  	s3 =	sand.u32 $0x4000, s31;
	s1 =	sadd.s32 s1, s30  }
0xbe: {  	s0 =	sor.u32 s3, s0;
	s1 =	sshll.u32 s1, $0x11  }
0xbf: {  	s0 =	sor.u32 s1, s0  }
0xc0: {  	s0 =	sadd.s32 $0x8F2B, s0  }
0xc1: {  	[sflag:s0] =	ssyncadd.remote.s32 $0x1  }
0xc2: {  	_ =	sfence.sel $0xFFFF  }
0xc3: {  	[dreg:$0x0] =	wrdreg $0xFFFFFFFF;
	(pc) =	sbr.abs _section_cstart, $3  }
0xc4: {  	[dreg:$0x1] =	wrdreg $0xFFFFFFFF  }
0xc5: {  	_ =	task.clear_ibuf [dreg:s9], $0x2FFFF;
	_ =	strace $0x9FFFFFFF  }
0xc6: {  	(tm) =	ssettm $0x7FFFFFFF  }
0xc7: {  	_ =	shalt  }
tec
execute0_lowered:
.L_overlay_start_1:
0x0: {  	(tag) =	ssettag $0x1  }
0x1: {  	s0 =	rddreg [dreg:$0x0]  }
0x2: {  	s1 =	rddreg [dreg:$0x1]  }
0x3: {  	s2 =	rddreg [dreg:$0x2]  }
0x4: {  	s30 =	rddreg [dreg:$0x3];
	s4 =	simm.s32 $0x0;
	s3 =	srdreg.scid  }
0x5: {  	s5 =	stileid.u32;
	[smem:$0x7FF] =	sst s4;
	s3 =	sand.u32 $0x1, s3  }
0x6: {  	s5 =	sshll.u32 s5, $0x9;
	s9 =	sadd.s32 $0x400, s2;
	s31 =	sadd.s32 $0xA00, s2  }
0x7: {  	_ =	strace $0x80000047;
	s6 =	sshll.u32 s3, $0x8;
	s3 =	ssub.s32 $0x2, s3  }
0x8: {  	[dreg:$0x5] =	wrdreg s9;
	s29 =	sor.u32 s6, s5;
	s16 =	sshrl.u32 s3, $0x1  }
0x9: {  	[dreg:$0x11] =	wrdreg s31;
	s3 =	ssub.s32 s3, s16;
	s22 =	sor.u32 $0x20, s29  }
0xa: {  	s7 =	sshrl.u32 s29, $0x1;
	[dreg:$0xb] =	wrdreg s22;
	s23 =	smax.u32 s3, $0x1  }
0xb: {  	s10 =	simm.s32 $0x12400;
	s17 =	sadd.s32 s0, s7;
	[dreg:$0xc] =	wrdreg s23  }
0xc: {  	s14 =	simm.s32 $0x15400;
	s19 =	sadd.s32 $0x10, s17;
	[dreg:$0x6] =	wrdreg s17  }
0xd: {  	s12 =	sadd.s32 $0x100, s1;
	s20 =	sadd.s32 $0x20, s17;
	[dreg:$0x7] =	wrdreg s19  }
0xe: {  	s13 =	sadd.s32 $0x200, s1;
	s21 =	sadd.s32 $0x30, s17;
	[dreg:$0x8] =	wrdreg s20  }
0xf: {  	s6 =	simm.s32 $0xC400;
	s24 =	sadd.s32 $0x40, s17;
	[dreg:$0x9] =	wrdreg s21  }
0x10: {  	s8 =	sshrl.u32 s29, $0x3;
	s25 =	sadd.s32 $0x50, s17;
	[dreg:$0xd] =	wrdreg s24  }
0x11: {  	s18 =	smul.u32 $0x300, s8;
	s26 =	sadd.s32 $0x60, s17;
	[dreg:$0xe] =	wrdreg s25  }
0x12: {  	v2 =	vlaneseq.u32;
	s3 =	simm.s32 $0x4;
	s28 =	sadd.s32 $0x70, s17;
	[dreg:$0xf] =	wrdreg s26  }
0x13: {  	vm0 =	vmmov $0xffff;
	v1 =	vshrl.u32 v2, $0x3;
	s7 =	simm.s32 $0x0;
	s0 =	sadd.s32 s9, s18;
	[dreg:$0x10] =	wrdreg s28  }
0x14: {  	v0 =	vand.u32 $0x7, v2;
	v2 =	vor.u32 $0x8, v2;
	v1 =	vmul.u32 $0x8, v1;
	s9 =	simm.s32 $0xF400;
	[dreg:$0xa] =	wrdreg s0;
	s0 =	simm.s32 $0x3  }
.LBB2_1:
0x15: {  	[dreg:$0x12] =	wrdreg s7  }
0x16: {  	s2 =	rddreg [dreg:$0x6]  }
0x17: {  	[tilespmem:s4], [sflag:$0x1] =	stream.linear.gather [hbm4b:s2+s4], $0x80, $0x38;
	[tilespmem:$0x1E400] =	vst v63  }
0x18: {  	s24 =	rddreg [dreg:$0xd];
	s5 =	simm.s32 $0x200  }
0x19: {  	[tilespmem:s5], [sflag:$0x1] =	stream.linear.gather [hbm4b:s24+s4], $0x80, $0x38;
	[tilespmem:$0x1E400] =	vst v63  }
0x1a: {  	s25 =	rddreg [dreg:$0x7];
	s26 =	simm.s32 $0x80  }
0x1b: {  	[tilespmem:s26], [sflag:$0x2] =	stream.linear.gather [hbm4b:s25+s4], $0x80, $0x38;
	[tilespmem:$0x1E400] =	vst v63  }
0x1c: {  	s28 =	rddreg [dreg:$0xe];
	s31 =	simm.s32 $0x280  }
0x1d: {  	[tilespmem:s31], [sflag:$0x2] =	stream.linear.gather [hbm4b:s28+s4], $0x80, $0x38;
	[tilespmem:$0x1E400] =	vst v63  }
0x1e: {  	s7 =	simm.s32 $0x100;
	s5 =	rddreg [dreg:$0x8]  }
0x1f: {  	[tilespmem:s7], [sflag:$0x3] =	stream.linear.gather [hbm4b:s5+s4], $0x80, $0x38;
	[tilespmem:$0x1E400] =	vst v63  }
0x20: {  	s8 =	rddreg [dreg:$0xf];
	s11 =	simm.s32 $0x300  }
0x21: {  	[tilespmem:s11], [sflag:$0x3] =	stream.linear.gather [hbm4b:s8+s4], $0x80, $0x38;
	[tilespmem:$0x1E400] =	vst v63  }
0x22: {  	s15 =	rddreg [dreg:$0x9];
	s16 =	simm.s32 $0x180  }
0x23: {  	[tilespmem:s16], [sflag:$0x4] =	stream.linear.gather [hbm4b:s15+s4], $0x80, $0x38;
	[tilespmem:$0x1E400] =	vst v63  }
0x24: {  	s17 =	rddreg [dreg:$0x10];
	s18 =	simm.s32 $0x380  }
0x25: {  	[tilespmem:s18], [sflag:$0x4] =	stream.linear.gather [hbm4b:s17+s4], $0x80, $0x38;
	[tilespmem:$0x1E400] =	vst v63  }
0x26: {  	s19 =	rddreg [dreg:$0xa];
	s20 =	simm.s32 $0x18400;
	s21 =	simm.s32 $0x1  }
0x27: {  	[tilespmem:s20], [sflag:$0x9] =	stream.linear.gather [hbm4b:s19+s4], $0x3000, $0x38;
	[tilespmem:$0x1E400] =	vst v63  }
0x28: {  	_ =	swait.ge [sflag:s21], $0x100  }
0x29: {  	[sflag:s21] =	ssyncset.done $0x0  }
0x2a: {  	s22 =	simm.s32 $0x2;
	[sflag:s21] =	ssyncadd.s32 $0xFFFFFF00  }
0x2b: {  	_ =	swait.ge [sflag:s22], $0x100  }
0x2c: {  	[sflag:s22] =	ssyncset.done $0x0  }
0x2d: {  	[sflag:s22] =	ssyncadd.s32 $0xFFFFFF00  }
0x2e: {  	_ =	swait.ge [sflag:s0], $0x100  }
0x2f: {  	[sflag:s0] =	ssyncset.done $0x0  }
0x30: {  	[sflag:s0] =	ssyncadd.s32 $0xFFFFFF00  }
0x31: {  	_ =	swait.ge [sflag:s3], $0x100  }
0x32: {  	[sflag:s3] =	ssyncset.done $0x0  }
0x33: {  	[sflag:s3] =	ssyncadd.s32 $0xFFFFFF00  }
0x34: {  	v3 =	vld [tilespmem:$0x0];
	_ =	sdelay $0x4  }
0x35: {  	v4 =	vshrl.u32 v3, $0x3  }
0x36: {  	v4 =	vmul.u32 $0x30, v4  }
0x37: {  	v3 =	vand.u32 $0x7, v3  }
0x38: {  	v3 =	vor.u32 v3, v4  }
0x39: {  	v4 =	vperm.xlane v3, v0;
	_ =	sdelay $0x1  }
0x3a: {  	v4 =	vadd.s32 v1, v4;
	_ =	sdelay $0x3  }
0x3b: {  	s23 =	simm.s32 $0x400;
	v3 =	vperm.xlane v3, v2  }
0x3c: {  	[tilespmem:s23], [sflag:$0x1] =	stream.indirect_vreg.gather [hbm4b:s1+s4], $0x80, v4, vm0, $0xb8;
	[tilespmem:$0x1E400] =	vst v63  }
0x3d: {  	s24 =	simm.s32 $0xC00;
	v3 =	vadd.s32 v1, v3  }
0x3e: {  	[tilespmem:s24], [sflag:$0x1] =	stream.indirect_vreg.gather [hbm4b:s12+s4], $0x80, v4, vm0, $0xb8;
	[tilespmem:$0x1E400] =	vst v63  }
0x3f: {  	s25 =	simm.s32 $0x1400  }
0x40: {  	[tilespmem:s25], [sflag:$0x1] =	stream.indirect_vreg.gather [hbm4b:s13+s4], $0x80, v4, vm0, $0xb8;
	[tilespmem:$0x1E400] =	vst v63  }
0x41: {  	s26 =	simm.s32 $0x1C00  }
0x42: {  	[tilespmem:s26], [sflag:$0x1] =	stream.indirect_vreg.gather [hbm4b:s1+s4], $0x80, v3, vm0, $0xb8;
	[tilespmem:$0x1E400] =	vst v63  }
0x43: {  	s28 =	simm.s32 $0x2400  }
0x44: {  	[tilespmem:s28], [sflag:$0x1] =	stream.indirect_vreg.gather [hbm4b:s12+s4], $0x80, v3, vm0, $0xb8;
	[tilespmem:$0x1E400] =	vst v63  }
0x45: {  	s31 =	simm.s32 $0x2C00  }
0x46: {  	[tilespmem:s31], [sflag:$0x1] =	stream.indirect_vreg.gather [hbm4b:s13+s4], $0x80, v3, vm0, $0xb8;
	[tilespmem:$0x1E400] =	vst v63  }
0x47: {  	v3 =	vld [tilespmem:$0x80];
	_ =	sdelay $0x4  }
0x48: {  	v61 =	vshrl.u32 v3, $0x3  }
0x49: {  	v4 =	vmul.u32 $0x30, v61  }
0x4a: {  	v3 =	vand.u32 $0x7, v3  }
0x4b: {  	v3 =	vor.u32 v3, v4  }
0x4c: {  	v4 =	vperm.xlane v3, v0;
	_ =	sdelay $0x1  }
0x4d: {  	v4 =	vadd.s32 v1, v4;
	_ =	sdelay $0x3  }
0x4e: {  	s5 =	simm.s32 $0x3400;
	v3 =	vperm.xlane v3, v2  }
0x4f: {  	[tilespmem:s5], [sflag:$0x2] =	stream.indirect_vreg.gather [hbm4b:s1+s4], $0x80, v4, vm0, $0xb8;
	[tilespmem:$0x1E400] =	vst v63  }
0x50: {  	s7 =	simm.s32 $0x3C00;
	v3 =	vadd.s32 v1, v3  }
0x51: {  	[tilespmem:s7], [sflag:$0x2] =	stream.indirect_vreg.gather [hbm4b:s12+s4], $0x80, v4, vm0, $0xb8;
	[tilespmem:$0x1E400] =	vst v63  }
0x52: {  	s8 =	simm.s32 $0x4400  }
0x53: {  	[tilespmem:s8], [sflag:$0x2] =	stream.indirect_vreg.gather [hbm4b:s13+s4], $0x80, v4, vm0, $0xb8;
	[tilespmem:$0x1E400] =	vst v63  }
0x54: {  	s11 =	simm.s32 $0x4C00  }
0x55: {  	[tilespmem:s11], [sflag:$0x2] =	stream.indirect_vreg.gather [hbm4b:s1+s4], $0x80, v3, vm0, $0xb8;
	[tilespmem:$0x1E400] =	vst v63  }
0x56: {  	s15 =	simm.s32 $0x5400  }
0x57: {  	[tilespmem:s15], [sflag:$0x2] =	stream.indirect_vreg.gather [hbm4b:s12+s4], $0x80, v3, vm0, $0xb8;
	[tilespmem:$0x1E400] =	vst v63  }
0x58: {  	s16 =	simm.s32 $0x5C00  }
0x59: {  	[tilespmem:s16], [sflag:$0x2] =	stream.indirect_vreg.gather [hbm4b:s13+s4], $0x80, v3, vm0, $0xb8;
	[tilespmem:$0x1E400] =	vst v63  }
0x5a: {  	v3 =	vld [tilespmem:$0x100];
	_ =	sdelay $0x4  }
0x5b: {  	v62 =	vshrl.u32 v3, $0x3  }
0x5c: {  	v4 =	vmul.u32 $0x30, v62  }
0x5d: {  	v3 =	vand.u32 $0x7, v3  }
0x5e: {  	v3 =	vor.u32 v3, v4  }
0x5f: {  	v4 =	vperm.xlane v3, v0;
	_ =	sdelay $0x1  }
0x60: {  	v4 =	vadd.s32 v1, v4;
	_ =	sdelay $0x3  }
0x61: {  	s17 =	simm.s32 $0x6400;
	v3 =	vperm.xlane v3, v2  }
0x62: {  	[tilespmem:s17], [sflag:$0x3] =	stream.indirect_vreg.gather [hbm4b:s1+s4], $0x80, v4, vm0, $0xb8;
	[tilespmem:$0x1E400] =	vst v63  }
0x63: {  	s18 =	simm.s32 $0x6C00;
	v3 =	vadd.s32 v1, v3  }
0x64: {  	[tilespmem:s18], [sflag:$0x3] =	stream.indirect_vreg.gather [hbm4b:s12+s4], $0x80, v4, vm0, $0xb8;
	[tilespmem:$0x1E400] =	vst v63  }
0x65: {  	s19 =	simm.s32 $0x7400  }
0x66: {  	[tilespmem:s19], [sflag:$0x3] =	stream.indirect_vreg.gather [hbm4b:s13+s4], $0x80, v4, vm0, $0xb8;
	[tilespmem:$0x1E400] =	vst v63  }
0x67: {  	s20 =	simm.s32 $0x7C00  }
0x68: {  	[tilespmem:s20], [sflag:$0x3] =	stream.indirect_vreg.gather [hbm4b:s1+s4], $0x80, v3, vm0, $0xb8;
	[tilespmem:$0x1E400] =	vst v63  }
0x69: {  	s21 =	simm.s32 $0x8400  }
0x6a: {  	[tilespmem:s21], [sflag:$0x3] =	stream.indirect_vreg.gather [hbm4b:s12+s4], $0x80, v3, vm0, $0xb8;
	[tilespmem:$0x1E400] =	vst v63  }
0x6b: {  	s22 =	simm.s32 $0x8C00  }
0x6c: {  	[tilespmem:s22], [sflag:$0x3] =	stream.indirect_vreg.gather [hbm4b:s13+s4], $0x80, v3, vm0, $0xb8;
	[tilespmem:$0x1E400] =	vst v63  }
0x6d: {  	v3 =	vld [tilespmem:$0x180];
	_ =	sdelay $0x4  }
0x6e: {  	v63 =	vshrl.u32 v3, $0x3  }
0x6f: {  	v4 =	vmul.u32 $0x30, v63  }
0x70: {  	v3 =	vand.u32 $0x7, v3  }
0x71: {  	v3 =	vor.u32 v3, v4  }
0x72: {  	v4 =	vperm.xlane v3, v0;
	_ =	sdelay $0x1  }
0x73: {  	v4 =	vadd.s32 v1, v4;
	_ =	sdelay $0x3  }
0x74: {  	s23 =	simm.s32 $0x9400;
	v3 =	vperm.xlane v3, v2  }
0x75: {  	[tilespmem:s23], [sflag:$0x4] =	stream.indirect_vreg.gather [hbm4b:s1+s4], $0x80, v4, vm0, $0xb8;
	[tilespmem:$0x1E400] =	vst v63  }
0x76: {  	s24 =	simm.s32 $0x9C00;
	v3 =	vadd.s32 v1, v3  }
0x77: {  	[tilespmem:s24], [sflag:$0x4] =	stream.indirect_vreg.gather [hbm4b:s12+s4], $0x80, v4, vm0, $0xb8;
	[tilespmem:$0x1E400] =	vst v63  }
0x78: {  	s25 =	simm.s32 $0xA400  }
0x79: {  	[tilespmem:s25], [sflag:$0x4] =	stream.indirect_vreg.gather [hbm4b:s13+s4], $0x80, v4, vm0, $0xb8;
	[tilespmem:$0x1E400] =	vst v63  }
0x7a: {  	s26 =	simm.s32 $0xAC00  }
0x7b: {  	[tilespmem:s26], [sflag:$0x4] =	stream.indirect_vreg.gather [hbm4b:s1+s4], $0x80, v3, vm0, $0xb8;
	[tilespmem:$0x1E400] =	vst v63  }
0x7c: {  	s28 =	simm.s32 $0xB400  }
0x7d: {  	[tilespmem:s28], [sflag:$0x4] =	stream.indirect_vreg.gather [hbm4b:s12+s4], $0x80, v3, vm0, $0xb8;
	[tilespmem:$0x1E400] =	vst v63  }
0x7e: {  	s31 =	simm.s32 $0xBC00;
	s25 =	simm.s32 $0x0  }
0x7f: {  	[tilespmem:s31], [sflag:$0x4] =	stream.indirect_vreg.gather [hbm4b:s13+s4], $0x80, v3, vm0, $0xb8;
	[tilespmem:$0x1E400] =	vst v63  }
.LBB2_2:
0x80: {  	s26 =	sshll.u32 s25, $0x5  }
0x81: {  	s2 =	sor.u32 s29, s26  }
0x82: {  	s31 =	smov.u32 s29;
	s5 =	simm.s32 $0x9;
	s29 =	sshrl.u32 s2, $0x3  }
0x83: {  	_ =	swait.ge [sflag:s5], $0x3000;
	s2 =	smul.u32 $0x300, s29  }
0x84: {  	s7 =	simm.s32 $0x1B400;
	[sflag:s5] =	ssyncset.done $0x0;
	s24 =	rddreg [dreg:$0x11]  }
0x85: {  	s8 =	simm.s32 $0x1;
	[sflag:s5] =	ssyncadd.s32 $0xFFFFD000;
	s2 =	sadd.s32 s24, s2  }
0x86: {  	[tilespmem:s7], [sflag:$0xA] =	stream.linear.gather [hbm4b:s2+s4], $0x3000, $0x38;
	[tilespmem:$0x1E400] =	vst v63  }
0x87: {  	_ =	swait.ge [sflag:s8], $0x3000  }
0x88: {  	[sflag:s8] =	ssyncset.done $0x0  }
0x89: {  	s11 =	simm.s32 $0x2;
	[sflag:s8] =	ssyncadd.s32 $0xFFFFD000  }
0x8a: {  	_ =	swait.ge [sflag:s11], $0x3000  }
0x8b: {  	[sflag:s11] =	ssyncset.done $0x0  }
0x8c: {  	[sflag:s11] =	ssyncadd.s32 $0xFFFFD000  }
0x8d: {  	_ =	swait.ge [sflag:s0], $0x3000  }
0x8e: {  	[sflag:s0] =	ssyncset.done $0x0  }
0x8f: {  	[sflag:s0] =	ssyncadd.s32 $0xFFFFD000  }
0x90: {  	_ =	swait.ge [sflag:s3], $0x3000  }
0x91: {  	p0 =	seq.s32 s25, $0x0;
	[sflag:s3] =	ssyncset.done $0x0  }
0x92: {  	s2 =	simm.s32 @!p0 $0x5;
	[sflag:s3] =	ssyncadd.s32 $0xFFFFD000  }
0x93: {  	_ =	swait.ge @!p0 [sflag:s2], $0x3000  }
0x94: {  	[sflag:s2] =	ssyncset.done @!p0 $0x0  }
0x95: {  	[sflag:s2] =	ssyncadd.s32 @!p0 $0xFFFFD000;
	s2 =	simm.s32 @!p0 $0x6  }
0x96: {  	_ =	swait.ge @!p0 [sflag:s2], $0x3000  }
0x97: {  	[sflag:s2] =	ssyncset.done @!p0 $0x0  }
0x98: {  	[sflag:s2] =	ssyncadd.s32 @!p0 $0xFFFFD000;
	s2 =	simm.s32 @!p0 $0x7  }
0x99: {  	_ =	swait.ge @!p0 [sflag:s2], $0x3000  }
0x9a: {  	[sflag:s2] =	ssyncset.done @!p0 $0x0  }
0x9b: {  	[sflag:s2] =	ssyncadd.s32 @!p0 $0xFFFFD000;
	s2 =	simm.s32 @!p0 $0x8  }
0x9c: {  	s15 =	sand.u32 $0x60, s26;
	s7 =	sshll.u32 s25, $0x7;
	_ =	swait.ge @!p0 [sflag:s2], $0x3000  }
0x9d: {  	s5 =	sor.u32 $0x10, s15;
	s8 =	sand.u32 $0x200, s7;
	[sflag:s2] =	ssyncset.done @!p0 $0x0  }
0x9e: {  	s16 =	sor.u32 s5, s8;
	[sflag:s2] =	ssyncadd.s32 @!p0 $0xFFFFD000  }
0x9f: {  	v3 =	vld [tilespmem:s16+$0x0];
	_ =	sdelay $0x4  }
0xa0: {  	v4 =	vshrl.u32 v3, $0x3  }
0xa1: {  	v4 =	vmul.u32 $0x30, v4  }
0xa2: {  	v3 =	vand.u32 $0x7, v3  }
0xa3: {  	v3 =	vor.u32 v3, v4  }
0xa4: {  	v4 =	vperm.xlane v3, v0;
	_ =	sdelay $0x1  }
0xa5: {  	v4 =	vadd.s32 v1, v4;
	_ =	sdelay $0x3  }
0xa6: {  	s11 =	simm.s32 $0x0;
	v3 =	vperm.xlane v3, v2  }
0xa7: {  	[tilespmem:s6], [sflag:$0x5] =	stream.indirect_vreg.gather [hbm4b:s1+s11], $0x80, v4, vm0, $0xb8;
	[tilespmem:$0x1E400] =	vst v63  }
0xa8: {  	s17 =	simm.s32 $0xCC00;
	v3 =	vadd.s32 v1, v3  }
0xa9: {  	[tilespmem:s17], [sflag:$0x5] =	stream.indirect_vreg.gather [hbm4b:s12+s11], $0x80, v4, vm0, $0xb8;
	[tilespmem:$0x1E400] =	vst v63  }
0xaa: {  	s18 =	simm.s32 $0xD400  }
0xab: {  	[tilespmem:s18], [sflag:$0x5] =	stream.indirect_vreg.gather [hbm4b:s13+s11], $0x80, v4, vm0, $0xb8;
	[tilespmem:$0x1E400] =	vst v63  }
0xac: {  	s19 =	simm.s32 $0xDC00  }
0xad: {  	[tilespmem:s19], [sflag:$0x5] =	stream.indirect_vreg.gather [hbm4b:s1+s11], $0x80, v3, vm0, $0xb8;
	[tilespmem:$0x1E400] =	vst v63  }
0xae: {  	s20 =	simm.s32 $0xE400  }
0xaf: {  	[tilespmem:s20], [sflag:$0x5] =	stream.indirect_vreg.gather [hbm4b:s12+s11], $0x80, v3, vm0, $0xb8;
	[tilespmem:$0x1E400] =	vst v63  }
0xb0: {  	s21 =	simm.s32 $0xEC00  }
0xb1: {  	[tilespmem:s21], [sflag:$0x5] =	stream.indirect_vreg.gather [hbm4b:s13+s11], $0x80, v3, vm0, $0xb8;
	[tilespmem:$0x1E400] =	vst v63  }
0xb2: {  	v3 =	vld [tilespmem:s16+$0x80];
	_ =	sdelay $0x4  }
0xb3: {  	v61 =	vshrl.u32 v3, $0x3  }
0xb4: {  	v4 =	vmul.u32 $0x30, v61  }
0xb5: {  	v3 =	vand.u32 $0x7, v3  }
0xb6: {  	v3 =	vor.u32 v3, v4  }
0xb7: {  	v4 =	vperm.xlane v3, v0;
	_ =	sdelay $0x1  }
0xb8: {  	v4 =	vadd.s32 v1, v4;
	_ =	sdelay $0x3  }
0xb9: {  	v3 =	vperm.xlane v3, v2  }
0xba: {  	[tilespmem:s9], [sflag:$0x6] =	stream.indirect_vreg.gather [hbm4b:s1+s11], $0x80, v4, vm0, $0xb8;
	[tilespmem:$0x1E400] =	vst v63  }
0xbb: {  	s22 =	simm.s32 $0xFC00;
	v3 =	vadd.s32 v1, v3  }
0xbc: {  	[tilespmem:s22], [sflag:$0x6] =	stream.indirect_vreg.gather [hbm4b:s12+s11], $0x80, v4, vm0, $0xb8;
	[tilespmem:$0x1E400] =	vst v63  }
0xbd: {  	s23 =	simm.s32 $0x10400  }
0xbe: {  	[tilespmem:s23], [sflag:$0x6] =	stream.indirect_vreg.gather [hbm4b:s13+s11], $0x80, v4, vm0, $0xb8;
	[tilespmem:$0x1E400] =	vst v63  }
0xbf: {  	s24 =	simm.s32 $0x10C00  }
0xc0: {  	[tilespmem:s24], [sflag:$0x6] =	stream.indirect_vreg.gather [hbm4b:s1+s11], $0x80, v3, vm0, $0xb8;
	[tilespmem:$0x1E400] =	vst v63  }
0xc1: {  	s8 =	simm.s32 $0x11400  }
0xc2: {  	[tilespmem:s8], [sflag:$0x6] =	stream.indirect_vreg.gather [hbm4b:s12+s11], $0x80, v3, vm0, $0xb8;
	[tilespmem:$0x1E400] =	vst v63  }
0xc3: {  	s9 =	simm.s32 $0x11C00  }
0xc4: {  	[tilespmem:s9], [sflag:$0x6] =	stream.indirect_vreg.gather [hbm4b:s13+s11], $0x80, v3, vm0, $0xb8;
	[tilespmem:$0x1E400] =	vst v63  }
0xc5: {  	v3 =	vld [tilespmem:s16+$0x100];
	_ =	sdelay $0x4  }
0xc6: {  	v62 =	vshrl.u32 v3, $0x3  }
0xc7: {  	v4 =	vmul.u32 $0x30, v62  }
0xc8: {  	v3 =	vand.u32 $0x7, v3  }
0xc9: {  	v3 =	vor.u32 v3, v4  }
0xca: {  	v4 =	vperm.xlane v3, v0;
	_ =	sdelay $0x1  }
0xcb: {  	v4 =	vadd.s32 v1, v4;
	_ =	sdelay $0x3  }
0xcc: {  	v3 =	vperm.xlane v3, v2  }
0xcd: {  	[tilespmem:s10], [sflag:$0x7] =	stream.indirect_vreg.gather [hbm4b:s1+s11], $0x80, v4, vm0, $0xb8;
	[tilespmem:$0x1E400] =	vst v63  }
0xce: {  	v3 =	vadd.s32 v1, v3;
	s10 =	simm.s32 $0x12C00  }
0xcf: {  	[tilespmem:s10], [sflag:$0x7] =	stream.indirect_vreg.gather [hbm4b:s12+s11], $0x80, v4, vm0, $0xb8;
	[tilespmem:$0x1E400] =	vst v63  }
0xd0: {  	s15 =	simm.s32 $0x13400  }
0xd1: {  	[tilespmem:s15], [sflag:$0x7] =	stream.indirect_vreg.gather [hbm4b:s13+s11], $0x80, v4, vm0, $0xb8;
	[tilespmem:$0x1E400] =	vst v63  }
0xd2: {  	s16 =	simm.s32 $0x13C00  }
0xd3: {  	[tilespmem:s16], [sflag:$0x7] =	stream.indirect_vreg.gather [hbm4b:s1+s11], $0x80, v3, vm0, $0xb8;
	[tilespmem:$0x1E400] =	vst v63  }
0xd4: {  	s17 =	simm.s32 $0x14400;
	s19 =	sor.u32 s5, s7  }
0xd5: {  	[tilespmem:s17], [sflag:$0x7] =	stream.indirect_vreg.gather [hbm4b:s12+s11], $0x80, v3, vm0, $0xb8;
	[tilespmem:$0x1E400] =	vst v63  }
0xd6: {  	s18 =	simm.s32 $0x14C00;
	s2 =	sor.u32 $0x180, s19  }
0xd7: {  	[tilespmem:s18], [sflag:$0x7] =	stream.indirect_vreg.gather [hbm4b:s13+s11], $0x80, v3, vm0, $0xb8;
	[tilespmem:$0x1E400] =	vst v63  }
0xd8: {  	v3 =	vld [tilespmem:s2+$0x0];
	_ =	sdelay $0x4  }
0xd9: {  	v63 =	vshrl.u32 v3, $0x3  }
0xda: {  	v4 =	vmul.u32 $0x30, v63  }
0xdb: {  	v3 =	vand.u32 $0x7, v3  }
0xdc: {  	v3 =	vor.u32 v3, v4  }
0xdd: {  	v4 =	vperm.xlane v3, v0;
	_ =	sdelay $0x1  }
0xde: {  	v4 =	vadd.s32 v1, v4;
	_ =	sdelay $0x3  }
0xdf: {  	v3 =	vperm.xlane v3, v2  }
0xe0: {  	[tilespmem:s14], [sflag:$0x8] =	stream.indirect_vreg.gather [hbm4b:s1+s11], $0x80, v4, vm0, $0xb8;
	[tilespmem:$0x1E400] =	vst v63  }
0xe1: {  	s20 =	simm.s32 $0x15C00;
	v3 =	vadd.s32 v1, v3  }
0xe2: {  	[tilespmem:s20], [sflag:$0x8] =	stream.indirect_vreg.gather [hbm4b:s12+s11], $0x80, v4, vm0, $0xb8;
	[tilespmem:$0x1E400] =	vst v63  }
0xe3: {  	s21 =	simm.s32 $0x16400  }
0xe4: {  	[tilespmem:s21], [sflag:$0x8] =	stream.indirect_vreg.gather [hbm4b:s13+s11], $0x80, v4, vm0, $0xb8;
	[tilespmem:$0x1E400] =	vst v63  }
0xe5: {  	s22 =	simm.s32 $0x16C00  }
0xe6: {  	[tilespmem:s22], [sflag:$0x8] =	stream.indirect_vreg.gather [hbm4b:s1+s11], $0x80, v3, vm0, $0xb8;
	[tilespmem:$0x1E400] =	vst v63  }
0xe7: {  	s23 =	simm.s32 $0x17400  }
0xe8: {  	[tilespmem:s23], [sflag:$0x8] =	stream.indirect_vreg.gather [hbm4b:s12+s11], $0x80, v3, vm0, $0xb8;
	[tilespmem:$0x1E400] =	vst v63  }
0xe9: {  	s28 =	simm.s32 $0x0;
	s24 =	simm.s32 $0x17C00;
	s21 =	sshll.u32 s25, $0x1  }
0xea: {  	[tilespmem:s24], [sflag:$0x8] =	stream.indirect_vreg.gather [hbm4b:s13+s11], $0x80, v3, vm0, $0xb8;
	[tilespmem:$0x1E400] =	vst v63  }
.LBB2_3:
0xeb: {  	s2 =	sshrl.u32 s28, $0x3;
	s5 =	sshll.u32 s28, $0x7  }
0xec: {  	s23 =	simm.s32 $0x0;
	s15 =	smul.u32 $0x1800, s2;
	s22 =	sand.u32 $0x380, s5  }
0xed: {  	s7 =	sand.u32 $0x1C00, s11;
	s2 =	sand.u32 $0x40, s23;
	s5 =	sor.u32 $0x30, s22  }
0xee: {  	s7 =	sadd.s32 s15, s7;
	s8 =	sor.u32 s5, s2  }
0xef: {  	s9 =	sor.u32 s22, s2;
	s20 =	sor.u32 s7, s8  }
0xf0: {  	s17 =	sor.u32 s7, s9;
	v3 =	vld [tilespmem:s20+$0x9400]  }
0xf1: {  	v4 =	vld [tilespmem:s17+$0x400]  }
0xf2: {  	v11 =	vld [tilespmem:s20+$0x18400]  }
0xf3: {  	s14 =	sor.u32 $0x10, s22;
	v5 =	vld [tilespmem:s17+$0x3400]  }
0xf4: {  	s24 =	sor.u32 s14, s2;
	v6 =	vld [tilespmem:s17+$0x6400]  }
0xf5: {  	s18 =	sor.u32 s7, s24;
	v7 =	vld [tilespmem:s17+$0x9400]  }
0xf6: {  	v8 =	vld [tilespmem:s18+$0x400]  }
0xf7: {  	s10 =	sor.u32 $0x20, s22;
	v9 =	vld [tilespmem:s18+$0x3400]  }
0xf8: {  	s2 =	sor.u32 s10, s2;
	v10 =	vld [tilespmem:s18+$0x6400]  }
0xf9: {  	s7 =	sor.u32 s7, s2;
	v12 =	vld [tilespmem:s18+$0x9400]  }
0xfa: {  	v13 =	vld [tilespmem:s7+$0x400]  }
0xfb: {  	v14 =	vld [tilespmem:s7+$0x3400]  }
0xfc: {  	v15 =	vld [tilespmem:s7+$0x6400]  }
0xfd: {  	v16 =	vld [tilespmem:s7+$0x9400]  }
0xfe: {  	v17 =	vld [tilespmem:s20+$0x3400]  }
0xff: {  	s16 =	simm.s32 $0x200;
	s23 =	simm.s32 $0x40;
	v18 =	vld [tilespmem:s20+$0x6400]  }
0x100: {  	s6 =	sand.u32 $0x1C00, s16;
	s19 =	sand.u32 $0x40, s23;
	v19 =	vld [tilespmem:s17+$0x18400];
	v3 =	vmul.f32 $2.771281240e+01, v3  }
0x101: {  	s24 =	sadd.s32 s15, s6;
	s8 =	sor.u32 s5, s19;
	v20 =	vld [tilespmem:s18+$0x18400]  }
0x102: {  	s2 =	sor.u32 s24, s8;
	v21 =	vld [tilespmem:s7+$0x18400];
	v3 =	vadd.f32 v3, v11  }
0x103: {  	s9 =	sor.u32 s22, s19;
	v22 =	vld [tilespmem:s2+$0x9400];
	v4 =	vmul.f32 $2.771281240e+01, v4  }
0x104: {  	s9 =	sor.u32 s24, s9;
	v5 =	vmul.f32 $2.771281240e+01, v5;
	[tilespmem:s20+$0x9400] =	vst v3;
	v3 =	vld [tilespmem:s20+$0x400]  }
0x105: {  	v23 =	vld [tilespmem:s9+$0x400];
	v6 =	vmul.f32 $2.771281240e+01, v6;
	v4 =	vadd.f32 v4, v19  }
0x106: {  	v25 =	vld [tilespmem:s9+$0x3400];
	v7 =	vmul.f32 $2.771281240e+01, v7;
	v8 =	vmul.f32 $2.771281240e+01, v8;
	v5 =	vadd.f32 v5, v19  }
0x107: {  	s6 =	sor.u32 s14, s19;
	v63 =	vld [tilespmem:s9+$0x6400];
	v13 =	vmul.f32 $2.771281240e+01, v13;
	v6 =	vadd.f32 v6, v19;
	[tilespmem:s17+$0x400] =	vst v4  }
0x108: {  	s8 =	sor.u32 s24, s6;
	v26 =	vmul.f32 $2.771281240e+01, v18;
	v8 =	vadd.f32 v8, v20;
	v4 =	vadd.f32 v7, v19;
	v7 =	vld [tilespmem:s9+$0x9400];
	[tilespmem:s17+$0x3400] =	vst v5  }
0x109: {  	v5 =	vmul.f32 $2.771281240e+01, v9;
	v9 =	vld [tilespmem:s8+$0x400];
	[tilespmem:s17+$0x6400] =	vst v6;
	v3 =	vmul.f32 $2.771281240e+01, v3  }
0x10a: {  	v18 =	vadd.f32 v13, v21;
	v6 =	vmul.f32 $2.771281240e+01, v10;
	v10 =	vmul.f32 $2.771281240e+01, v12;
	v12 =	vld [tilespmem:s8+$0x3400];
	[tilespmem:s18+$0x400] =	vst v8  }
0x10b: {  	s19 =	sor.u32 s10, s19;
	[tilespmem:s17+$0x9400] =	vst v4;
	v4 =	vadd.f32 v5, v20;
	v24 =	vadd.f32 v3, v11;
	v3 =	vld [tilespmem:s2+$0x18400]  }
0x10c: {  	v14 =	vmul.f32 $2.771281240e+01, v14;
	[tilespmem:s7+$0x400] =	vst v18;
	v5 =	vmul.f32 $2.771281240e+01, v15;
	s17 =	sor.u32 s24, s19;
	v6 =	vadd.f32 v6, v20;
	v15 =	vld [tilespmem:s8+$0x9400]  }
0x10d: {  	v17 =	vmul.f32 $2.771281240e+01, v17;
	v10 =	vadd.f32 v10, v20;
	v27 =	vld [tilespmem:s17+$0x400];
	[tilespmem:s18+$0x3400] =	vst v4  }
0x10e: {  	v19 =	vmul.f32 $2.771281240e+01, v22;
	v22 =	vld [tilespmem:s8+$0x6400];
	v4 =	vmul.f32 $2.771281240e+01, v23;
	v23 =	vadd.f32 v14, v21;
	[tilespmem:s18+$0x6400] =	vst v6  }
0x10f: {  	v8 =	vmul.f32 $2.771281240e+01, v16;
	v18 =	vadd.f32 v17, v11;
	v16 =	vld [tilespmem:s17+$0x3400];
	v28 =	vadd.f32 v5, v21;
	[tilespmem:s18+$0x9400] =	vst v10  }
0x110: {  	v13 =	vld [tilespmem:s17+$0x6400];
	v5 =	vmul.f32 $2.771281240e+01, v25;
	v6 =	vmul.f32 $2.771281240e+01, v63;
	[tilespmem:s7+$0x3400] =	vst v23;
	v19 =	vadd.f32 v19, v3  }
0x111: {  	v17 =	vadd.f32 v26, v11;
	v14 =	vld [tilespmem:s17+$0x9400];
	v10 =	vmul.f32 $2.771281240e+01, v12;
	[tilespmem:s7+$0x6400] =	vst v28;
	v12 =	vmul.f32 $2.771281240e+01, v15  }
0x112: {  	v20 =	vld [tilespmem:s2+$0x400];
	v11 =	vmul.f32 $2.771281240e+01, v27;
	[tilespmem:s2+$0x9400] =	vst v19;
	v19 =	vadd.f32 v8, v21;
	v8 =	vmul.f32 $2.771281240e+01, v7  }
0x113: {  	v15 =	vld [tilespmem:s2+$0x3400];
	[tilespmem:s20+$0x400] =	vst v24;
	v7 =	vmul.f32 $2.771281240e+01, v9;
	v9 =	vmul.f32 $2.771281240e+01, v22  }
.LBB2_4:
0x114: {  	s23 =	sadd.s32 $0x40, s23;
	v16 =	vmul.f32 $2.771281240e+01, v16;
	v21 =	vld [tilespmem:s2+$0x6400];
	s16 =	sadd.s32 $0x200, s16;
	[tilespmem:s7+$0x9400] =	vst v19;
	s7 =	smov.u32 s17  }
0x115: {  	s17 =	sand.u32 $0x40, s23;
	s18 =	sand.u32 $0x1C00, s16;
	p0 =	slt.u32 s23, $0x2C0;
	v19 =	vld [tilespmem:s9+$0x18400];
	v13 =	vmul.f32 $2.771281240e+01, v13;
	[tilespmem:s20+$0x3400] =	vst v18  }
0x116: {  	s19 =	sadd.s32 s15, s18;
	s18 =	sor.u32 s22, s17;
	s24 =	sor.u32 s5, s17;
	v18 =	vld [tilespmem:s8+$0x18400];
	v14 =	vmul.f32 $2.771281240e+01, v14;
	[tilespmem:s20+$0x6400] =	vst v17  }
0x117: {  	s20 =	sor.u32 s14, s17;
	s17 =	sor.u32 s10, s17;
	s24 =	sor.u32 s19, s24;
	v17 =	vld [tilespmem:s7+$0x18400];
	v20 =	vmul.f32 $2.771281240e+01, v20  }
0x118: {  	s6 =	sor.u32 s19, s18;
	s18 =	sor.u32 s19, s20;
	s17 =	sor.u32 s19, s17;
	v22 =	vld [tilespmem:s24+$0x9400];
	v15 =	vmul.f32 $2.771281240e+01, v15  }
0x119: {  	s20 =	smov.u32 s2;
	s2 =	smov.u32 s24;
	v23 =	vld [tilespmem:s6+$0x400];
	v20 =	vadd.f32 v20, v3;
	v21 =	vmul.f32 $2.771281240e+01, v21  }
0x11a: {  	v24 =	vld [tilespmem:s2+$0x18400];
	v4 =	vadd.f32 v4, v19;
	v5 =	vadd.f32 v5, v19  }
0x11b: {  	v6 =	vadd.f32 v6, v19;
	v8 =	vadd.f32 v8, v19;
	v25 =	vld [tilespmem:s6+$0x3400];
	[tilespmem:s20+$0x400] =	vst v20  }
0x11c: {  	v7 =	vadd.f32 v7, v18;
	v10 =	vadd.f32 v10, v18;
	v20 =	vld [tilespmem:s6+$0x6400];
	[tilespmem:s9+$0x400] =	vst v4  }
0x11d: {  	v9 =	vadd.f32 v9, v18;
	v12 =	vadd.f32 v12, v18;
	v26 =	vld [tilespmem:s6+$0x9400];
	v19 =	vmul.f32 $2.771281240e+01, v22;
	[tilespmem:s9+$0x3400] =	vst v5  }
0x11e: {  	v11 =	vadd.f32 v11, v17;
	v4 =	vmul.f32 $2.771281240e+01, v23;
	v22 =	vld [tilespmem:s18+$0x400];
	[tilespmem:s9+$0x6400] =	vst v6;
	v23 =	vadd.f32 v16, v17  }
0x11f: {  	v28 =	vadd.f32 v13, v17;
	v27 =	vld [tilespmem:s18+$0x3400];
	v16 =	vadd.f32 v19, v24;
	[tilespmem:s9+$0x9400] =	vst v8;
	s9 =	smov.u32 s6  }
0x120: {  	v18 =	vadd.f32 v15, v3;
	v19 =	vadd.f32 v14, v17;
	v5 =	vmul.f32 $2.771281240e+01, v25;
	v25 =	vld [tilespmem:s18+$0x6400];
	[tilespmem:s8+$0x400] =	vst v7  }
0x121: {  	v17 =	vadd.f32 v21, v3;
	v3 =	vmov v24;
	v6 =	vmul.f32 $2.771281240e+01, v20;
	v15 =	vld [tilespmem:s18+$0x9400];
	[tilespmem:s2+$0x9400] =	vst v16  }
0x122: {  	v8 =	vmul.f32 $2.771281240e+01, v26;
	v21 =	vld [tilespmem:s17+$0x400];
	[tilespmem:s8+$0x3400] =	vst v10  }
.Ltmp0:
0x123: {  	v7 =	vmul.f32 $2.771281240e+01, v22;
	v16 =	vld [tilespmem:s17+$0x3400];
	[tilespmem:s8+$0x6400] =	vst v9;
	(pc) =	sbr.rel @p0 .LBB2_4-.Ltmp0, $4  }
0x124: {  	v10 =	vmul.f32 $2.771281240e+01, v27;
	v13 =	vld [tilespmem:s17+$0x6400];
	[tilespmem:s8+$0x9400] =	vst v12;
	s8 =	smov.u32 s18  }
0x125: {  	v9 =	vmul.f32 $2.771281240e+01, v25;
	v14 =	vld [tilespmem:s17+$0x9400];
	[tilespmem:s7+$0x400] =	vst v11  }
0x126: {  	v12 =	vmul.f32 $2.771281240e+01, v15;
	v20 =	vld [tilespmem:s2+$0x400];
	[tilespmem:s7+$0x3400] =	vst v23  }
0x127: {  	v11 =	vmul.f32 $2.771281240e+01, v21;
	v15 =	vld [tilespmem:s2+$0x3400];
	[tilespmem:s7+$0x6400] =	vst v28  }
0x128: {  	_ = 	snop  }
0x129: {  	v21 =	vld [tilespmem:s9+$0x18400];
	_ =	sdelay $0x1  }
0x12a: {  	v20 =	vmul.f32 $2.771281240e+01, v20  }
0x12b: {  	[tilespmem:s7+$0x9400] =	vst v19  }
0x12c: {  	[tilespmem:s20+$0x3400] =	vst v18;
	v49 =	vld [tilespmem:s8+$0x18400];
	v50 =	vadd.f32 v20, v3  }
0x12d: {  	[tilespmem:s20+$0x6400] =	vst v17;
	v4 =	vadd.f32 v4, v21  }
0x12e: {  	v5 =	vadd.f32 v5, v21;
	[tilespmem:s2+$0x400] =	vst v50  }
0x12f: {  	v6 =	vadd.f32 v6, v21;
	[tilespmem:s9+$0x400] =	vst v4  }
0x130: {  	v52 =	vld [tilespmem:s17+$0x18400];
	v8 =	vadd.f32 v8, v21;
	[tilespmem:s9+$0x3400] =	vst v5  }
0x131: {  	v53 =	vadd.f32 v7, v49;
	[tilespmem:s9+$0x6400] =	vst v6  }
0x132: {  	v54 =	vadd.f32 v10, v49;
	[tilespmem:s9+$0x9400] =	vst v8  }
0x133: {  	v51 =	vld [tilespmem:s2+$0x6400];
	v55 =	vadd.f32 v9, v49;
	[tilespmem:s8+$0x400] =	vst v53  }
0x134: {  	v61 =	vmul.f32 $2.771281240e+01, v15;
	v57 =	vadd.f32 v12, v49;
	[tilespmem:s8+$0x3400] =	vst v54  }
0x135: {  	v56 =	vmul.f32 $2.771281240e+01, v16;
	v59 =	vadd.f32 v11, v52;
	[tilespmem:s8+$0x6400] =	vst v55  }
0x136: {  	s28 =	sadd.s32 $0x1, s28;
	v58 =	vmul.f32 $2.771281240e+01, v13;
	v63 =	vadd.f32 v61, v3;
	[tilespmem:s8+$0x9400] =	vst v57  }
0x137: {  	p0 =	sne.s32 s28, $0x10;
	v60 =	vmul.f32 $2.771281240e+01, v14;
	v5 =	vadd.f32 v56, v52;
	[tilespmem:s17+$0x400] =	vst v59  }
.Ltmp1:
0x138: {  	v62 =	vmul.f32 $2.771281240e+01, v51;
	v6 =	vadd.f32 v58, v52;
	[tilespmem:s2+$0x3400] =	vst v63;
	(pc) =	sbr.rel @p0 .LBB2_3-.Ltmp1, $4  }
0x139: {  	v4 =	vadd.f32 v60, v52;
	[tilespmem:s17+$0x3400] =	vst v5  }
0x13a: {  	v3 =	vadd.f32 v62, v3;
	[tilespmem:s17+$0x6400] =	vst v6  }
0x13b: {  	[tilespmem:s17+$0x9400] =	vst v4  }
0x13c: {  	[tilespmem:s2+$0x6400] =	vst v3  }
0x13d: {  	s2 =	smul.u32 $0x1800, s29;
	_ =	sdelay $0x1  }
0x13e: {  	s2 =	sshrl.u32 s2, $0x3  }
0x13f: {  	s5 =	simm.s32 $0x400;
	s2 =	sadd.s32 s30, s2  }
0x140: {  	[hbm4b:s2+s4] =	stream.linear.scatter [tilespmem:s5], [sflag:$0x1], $0x3000, $0x38;
	[tilespmem:$0x1E400] =	vst v63  }
0x141: {  	s6 =	simm.s32 $0x3400;
	s16 =	sadd.s32 $0xC0000, s2  }
0x142: {  	[hbm4b:s16+s4] =	stream.linear.scatter [tilespmem:s6], [sflag:$0x2], $0x3000, $0x38;
	[tilespmem:$0x1E400] =	vst v63  }
0x143: {  	s18 =	simm.s32 $0x6400;
	s17 =	sadd.s32 $0x180000, s2  }
0x144: {  	[hbm4b:s17+s4] =	stream.linear.scatter [tilespmem:s18], [sflag:$0x3], $0x3000, $0x38;
	[tilespmem:$0x1E400] =	vst v63  }
0x145: {  	s19 =	simm.s32 $0x9400;
	s2 =	sadd.s32 $0x240000, s2  }
0x146: {  	[hbm4b:s2+s4] =	stream.linear.scatter [tilespmem:s19], [sflag:$0x4], $0x3000, $0x38;
	[tilespmem:$0x1E400] =	vst v63  }
0x147: {  	s2 =	sor.u32 $0x1, s21  }
0x148: {  	s5 =	rddreg [dreg:$0xb];
	p0 =	sgt.u32 s2, $0xE  }
0x149: {  	s5 =	sadd.s32 @!p0 s26, s5  }
0x14a: {  	s20 =	simm.s32 $0xA;
	s5 =	sshrl.u32 @!p0 s5, $0x3  }
0x14b: {  	s21 =	simm.s32 $0x5;
	_ =	swait.ge [sflag:s20], $0x3000;
	s5 =	smul.u32 @!p0 $0x300, s5  }
0x14c: {  	[sflag:s20] =	ssyncset.done $0x0;
	s6 =	rddreg [dreg:$0x5];
	s7 =	simm.s32 @!p0 $0x18400  }
0x14d: {  	[sflag:s20] =	ssyncadd.s32 $0xFFFFD000;
	s5 =	sadd.s32 @!p0 s6, s5;
	s6 =	simm.s32 @!p0 $0x0  }
0x14e: {  	[tilespmem:s7], [sflag:$0x9] =	stream.linear.gather @!p0 [hbm4b:s5+s6], $0x3000, $0x38;
	[tilespmem:$0x1E400] =	vst v63  }
0x14f: {  	_ =	swait.ge [sflag:s21], $0x3000  }
0x150: {  	[sflag:s21] =	ssyncset.done $0x0  }
0x151: {  	s22 =	simm.s32 $0x6;
	[sflag:s21] =	ssyncadd.s32 $0xFFFFD000  }
0x152: {  	_ =	swait.ge [sflag:s22], $0x3000  }
0x153: {  	[sflag:s22] =	ssyncset.done $0x0  }
0x154: {  	s23 =	simm.s32 $0x7;
	[sflag:s22] =	ssyncadd.s32 $0xFFFFD000  }
0x155: {  	_ =	swait.ge [sflag:s23], $0x3000  }
0x156: {  	[sflag:s23] =	ssyncset.done $0x0  }
0x157: {  	s24 =	simm.s32 $0x8;
	[sflag:s23] =	ssyncadd.s32 $0xFFFFD000  }
0x158: {  	_ =	swait.ge [sflag:s24], $0x3000  }
0x159: {  	[sflag:s24] =	ssyncset.done $0x0  }
0x15a: {  	s28 =	simm.s32 $0x1;
	[sflag:s24] =	ssyncadd.s32 $0xFFFFD000  }
0x15b: {  	_ =	swait.ge [sflag:s28], $0x3000  }
0x15c: {  	[sflag:s28] =	ssyncset.done $0x0  }
0x15d: {  	s29 =	simm.s32 $0x2;
	[sflag:s28] =	ssyncadd.s32 $0xFFFFD000  }
0x15e: {  	_ =	swait.ge [sflag:s29], $0x3000  }
0x15f: {  	[sflag:s29] =	ssyncset.done $0x0  }
0x160: {  	[sflag:s29] =	ssyncadd.s32 $0xFFFFD000  }
0x161: {  	_ =	swait.ge [sflag:s0], $0x3000  }
.Ltmp2:
0x162: {  	[sflag:s0] =	ssyncset.done $0x0;
	(pc) =	sbr.rel @p0 .LBB2_8-.Ltmp2, $4  }
0x163: {  	[sflag:s0] =	ssyncadd.s32 $0xFFFFD000  }
0x164: {  	_ =	swait.ge [sflag:s3], $0x3000  }
0x165: {  	[sflag:s3] =	ssyncset.done $0x0  }
0x166: {  	[sflag:s3] =	ssyncadd.s32 $0xFFFFD000  }
0x167: {  	s5 =	sadd.s32 $0x20, s26  }
0x168: {  	s6 =	sshll.u32 s5, $0x2  }
0x169: {  	s7 =	sand.u32 $0x60, s5;
	s8 =	sand.u32 $0x600, s6  }
0x16a: {  	s7 =	sor.u32 s7, s8  }
0x16b: {  	v3 =	vld [tilespmem:s7+$0x0];
	_ =	sdelay $0x4  }
0x16c: {  	v4 =	vshrl.u32 v3, $0x3  }
0x16d: {  	v4 =	vmul.u32 $0x30, v4  }
0x16e: {  	v3 =	vand.u32 $0x7, v3  }
0x16f: {  	v3 =	vor.u32 v3, v4  }
0x170: {  	v4 =	vperm.xlane v3, v0;
	_ =	sdelay $0x1  }
0x171: {  	v4 =	vadd.s32 v1, v4;
	_ =	sdelay $0x3  }
0x172: {  	s21 =	simm.s32 $0x400;
	v3 =	vperm.xlane v3, v2  }
0x173: {  	[tilespmem:s21], [sflag:$0x1] =	stream.indirect_vreg.gather [hbm4b:s1+s4], $0x80, v4, vm0, $0xb8;
	[tilespmem:$0x1E400] =	vst v63  }
0x174: {  	s22 =	simm.s32 $0xC00;
	v3 =	vadd.s32 v1, v3  }
0x175: {  	[tilespmem:s22], [sflag:$0x1] =	stream.indirect_vreg.gather [hbm4b:s12+s4], $0x80, v4, vm0, $0xb8;
	[tilespmem:$0x1E400] =	vst v63  }
0x176: {  	s23 =	simm.s32 $0x1400  }
0x177: {  	[tilespmem:s23], [sflag:$0x1] =	stream.indirect_vreg.gather [hbm4b:s13+s4], $0x80, v4, vm0, $0xb8;
	[tilespmem:$0x1E400] =	vst v63  }
0x178: {  	s24 =	simm.s32 $0x1C00  }
0x179: {  	[tilespmem:s24], [sflag:$0x1] =	stream.indirect_vreg.gather [hbm4b:s1+s4], $0x80, v3, vm0, $0xb8;
	[tilespmem:$0x1E400] =	vst v63  }
0x17a: {  	s26 =	simm.s32 $0x2400  }
0x17b: {  	[tilespmem:s26], [sflag:$0x1] =	stream.indirect_vreg.gather [hbm4b:s12+s4], $0x80, v3, vm0, $0xb8;
	[tilespmem:$0x1E400] =	vst v63  }
0x17c: {  	s28 =	simm.s32 $0x2C00  }
0x17d: {  	[tilespmem:s28], [sflag:$0x1] =	stream.indirect_vreg.gather [hbm4b:s13+s4], $0x80, v3, vm0, $0xb8;
	[tilespmem:$0x1E400] =	vst v63  }
0x17e: {  	v3 =	vld [tilespmem:s7+$0x80];
	_ =	sdelay $0x4  }
0x17f: {  	v61 =	vshrl.u32 v3, $0x3  }
0x180: {  	v4 =	vmul.u32 $0x30, v61  }
0x181: {  	v3 =	vand.u32 $0x7, v3  }
0x182: {  	v3 =	vor.u32 v3, v4  }
0x183: {  	v4 =	vperm.xlane v3, v0;
	_ =	sdelay $0x1  }
0x184: {  	v4 =	vadd.s32 v1, v4;
	_ =	sdelay $0x3  }
0x185: {  	s29 =	simm.s32 $0x3400;
	v3 =	vperm.xlane v3, v2  }
0x186: {  	[tilespmem:s29], [sflag:$0x2] =	stream.indirect_vreg.gather [hbm4b:s1+s4], $0x80, v4, vm0, $0xb8;
	[tilespmem:$0x1E400] =	vst v63  }
0x187: {  	s9 =	simm.s32 $0x3C00;
	v3 =	vadd.s32 v1, v3  }
0x188: {  	[tilespmem:s9], [sflag:$0x2] =	stream.indirect_vreg.gather [hbm4b:s12+s4], $0x80, v4, vm0, $0xb8;
	[tilespmem:$0x1E400] =	vst v63  }
0x189: {  	s10 =	simm.s32 $0x4400  }
0x18a: {  	[tilespmem:s10], [sflag:$0x2] =	stream.indirect_vreg.gather [hbm4b:s13+s4], $0x80, v4, vm0, $0xb8;
	[tilespmem:$0x1E400] =	vst v63  }
0x18b: {  	s11 =	simm.s32 $0x4C00  }
0x18c: {  	[tilespmem:s11], [sflag:$0x2] =	stream.indirect_vreg.gather [hbm4b:s1+s4], $0x80, v3, vm0, $0xb8;
	[tilespmem:$0x1E400] =	vst v63  }
0x18d: {  	s14 =	simm.s32 $0x5400  }
0x18e: {  	[tilespmem:s14], [sflag:$0x2] =	stream.indirect_vreg.gather [hbm4b:s12+s4], $0x80, v3, vm0, $0xb8;
	[tilespmem:$0x1E400] =	vst v63  }
0x18f: {  	s15 =	simm.s32 $0x5C00  }
0x190: {  	[tilespmem:s15], [sflag:$0x2] =	stream.indirect_vreg.gather [hbm4b:s13+s4], $0x80, v3, vm0, $0xb8;
	[tilespmem:$0x1E400] =	vst v63  }
0x191: {  	v3 =	vld [tilespmem:s7+$0x100];
	_ =	sdelay $0x4  }
0x192: {  	v62 =	vshrl.u32 v3, $0x3  }
0x193: {  	v4 =	vmul.u32 $0x30, v62  }
0x194: {  	v3 =	vand.u32 $0x7, v3  }
0x195: {  	v3 =	vor.u32 v3, v4  }
0x196: {  	v4 =	vperm.xlane v3, v0;
	_ =	sdelay $0x1  }
0x197: {  	v4 =	vadd.s32 v1, v4;
	_ =	sdelay $0x3  }
0x198: {  	s16 =	simm.s32 $0x6400;
	v3 =	vperm.xlane v3, v2  }
0x199: {  	[tilespmem:s16], [sflag:$0x3] =	stream.indirect_vreg.gather [hbm4b:s1+s4], $0x80, v4, vm0, $0xb8;
	[tilespmem:$0x1E400] =	vst v63  }
0x19a: {  	s17 =	simm.s32 $0x6C00;
	v3 =	vadd.s32 v1, v3  }
0x19b: {  	[tilespmem:s17], [sflag:$0x3] =	stream.indirect_vreg.gather [hbm4b:s12+s4], $0x80, v4, vm0, $0xb8;
	[tilespmem:$0x1E400] =	vst v63  }
0x19c: {  	s18 =	simm.s32 $0x7400  }
0x19d: {  	[tilespmem:s18], [sflag:$0x3] =	stream.indirect_vreg.gather [hbm4b:s13+s4], $0x80, v4, vm0, $0xb8;
	[tilespmem:$0x1E400] =	vst v63  }
0x19e: {  	s19 =	simm.s32 $0x7C00  }
0x19f: {  	[tilespmem:s19], [sflag:$0x3] =	stream.indirect_vreg.gather [hbm4b:s1+s4], $0x80, v3, vm0, $0xb8;
	[tilespmem:$0x1E400] =	vst v63  }
0x1a0: {  	s20 =	simm.s32 $0x8400;
	s5 =	sor.u32 s6, s5  }
0x1a1: {  	[tilespmem:s20], [sflag:$0x3] =	stream.indirect_vreg.gather [hbm4b:s12+s4], $0x80, v3, vm0, $0xb8;
	[tilespmem:$0x1E400] =	vst v63  }
0x1a2: {  	s5 =	sor.u32 $0x180, s5;
	s21 =	simm.s32 $0x8C00  }
0x1a3: {  	[tilespmem:s21], [sflag:$0x3] =	stream.indirect_vreg.gather [hbm4b:s13+s4], $0x80, v3, vm0, $0xb8;
	[tilespmem:$0x1E400] =	vst v63  }
0x1a4: {  	v3 =	vld [tilespmem:s5+$0x0];
	_ =	sdelay $0x4  }
0x1a5: {  	v63 =	vshrl.u32 v3, $0x3  }
0x1a6: {  	v4 =	vmul.u32 $0x30, v63  }
0x1a7: {  	v3 =	vand.u32 $0x7, v3  }
0x1a8: {  	v3 =	vor.u32 v3, v4  }
0x1a9: {  	v4 =	vperm.xlane v3, v0;
	_ =	sdelay $0x1  }
0x1aa: {  	v4 =	vadd.s32 v1, v4;
	_ =	sdelay $0x3  }
0x1ab: {  	s22 =	simm.s32 $0x9400;
	v3 =	vperm.xlane v3, v2  }
0x1ac: {  	[tilespmem:s22], [sflag:$0x4] =	stream.indirect_vreg.gather [hbm4b:s1+s4], $0x80, v4, vm0, $0xb8;
	[tilespmem:$0x1E400] =	vst v63  }
0x1ad: {  	s23 =	simm.s32 $0x9C00;
	v3 =	vadd.s32 v1, v3  }
0x1ae: {  	[tilespmem:s23], [sflag:$0x4] =	stream.indirect_vreg.gather [hbm4b:s12+s4], $0x80, v4, vm0, $0xb8;
	[tilespmem:$0x1E400] =	vst v63  }
0x1af: {  	s24 =	simm.s32 $0xA400  }
0x1b0: {  	[tilespmem:s24], [sflag:$0x4] =	stream.indirect_vreg.gather [hbm4b:s13+s4], $0x80, v4, vm0, $0xb8;
	[tilespmem:$0x1E400] =	vst v63  }
0x1b1: {  	s26 =	simm.s32 $0xAC00  }
0x1b2: {  	[tilespmem:s26], [sflag:$0x4] =	stream.indirect_vreg.gather [hbm4b:s1+s4], $0x80, v3, vm0, $0xb8;
	[tilespmem:$0x1E400] =	vst v63  }
0x1b3: {  	s28 =	simm.s32 $0xB400  }
0x1b4: {  	[tilespmem:s28], [sflag:$0x4] =	stream.indirect_vreg.gather [hbm4b:s12+s4], $0x80, v3, vm0, $0xb8;
	[tilespmem:$0x1E400] =	vst v63  }
0x1b5: {  	s29 =	simm.s32 $0xBC00  }
0x1b6: {  	[tilespmem:s29], [sflag:$0x4] =	stream.indirect_vreg.gather [hbm4b:s13+s4], $0x80, v3, vm0, $0xb8;
	[tilespmem:$0x1E400] =	vst v63  }
.LBB2_8:
0x1b7: {  	s2 =	sshll.u32 s2, $0x4;
	s29 =	smov.u32 s31  }
0x1b8: {  	s21 =	simm.s32 $0x0;
	s26 =	simm.s32 $0x0;
	s11 =	sadd.s32 s31, s2  }
.LBB2_9:
0x1b9: {  	s2 =	sshrl.u32 s26, $0x3;
	s5 =	sshll.u32 s26, $0x7  }
0x1ba: {  	s17 =	simm.s32 $0x0;
	s15 =	smul.u32 $0x1800, s2;
	s22 =	sand.u32 $0x380, s5  }
0x1bb: {  	s6 =	sand.u32 $0x1C00, s21;
	s2 =	sand.u32 $0x40, s17;
	s5 =	sor.u32 $0x30, s22  }
0x1bc: {  	s6 =	sadd.s32 s15, s6;
	s7 =	sor.u32 s5, s2  }
0x1bd: {  	s8 =	sor.u32 s22, s2;
	s20 =	sor.u32 s6, s7  }
0x1be: {  	s17 =	sor.u32 s6, s8;
	v3 =	vld [tilespmem:s20+$0x15400]  }
0x1bf: {  	v4 =	vld [tilespmem:s17+$0xC400]  }
0x1c0: {  	v11 =	vld [tilespmem:s20+$0x1B400]  }
0x1c1: {  	s14 =	sor.u32 $0x10, s22;
	v5 =	vld [tilespmem:s17+$0xF400]  }
0x1c2: {  	s18 =	sor.u32 s14, s2;
	v6 =	vld [tilespmem:s17+$0x12400]  }
0x1c3: {  	s18 =	sor.u32 s6, s18;
	v7 =	vld [tilespmem:s17+$0x15400]  }
0x1c4: {  	v8 =	vld [tilespmem:s18+$0xC400]  }
0x1c5: {  	s10 =	sor.u32 $0x20, s22;
	v9 =	vld [tilespmem:s18+$0xF400]  }
0x1c6: {  	s2 =	sor.u32 s10, s2;
	v10 =	vld [tilespmem:s18+$0x12400]  }
0x1c7: {  	s7 =	sor.u32 s6, s2;
	v12 =	vld [tilespmem:s18+$0x15400]  }
0x1c8: {  	v13 =	vld [tilespmem:s7+$0xC400]  }
0x1c9: {  	v14 =	vld [tilespmem:s7+$0xF400]  }
0x1ca: {  	v15 =	vld [tilespmem:s7+$0x12400]  }
0x1cb: {  	v16 =	vld [tilespmem:s7+$0x15400]  }
0x1cc: {  	v17 =	vld [tilespmem:s20+$0xF400]  }
0x1cd: {  	s23 =	simm.s32 $0x40;
	s16 =	simm.s32 $0x200;
	v18 =	vld [tilespmem:s20+$0x12400]  }
0x1ce: {  	s19 =	sand.u32 $0x1C00, s16;
	s6 =	sand.u32 $0x40, s23;
	v19 =	vld [tilespmem:s17+$0x1B400];
	v3 =	vmul.f32 $2.771281240e+01, v3  }
0x1cf: {  	s19 =	sadd.s32 s15, s19;
	s24 =	sor.u32 s5, s6;
	v20 =	vld [tilespmem:s18+$0x1B400]  }
0x1d0: {  	v21 =	vld [tilespmem:s7+$0x1B400];
	s2 =	sor.u32 s19, s24;
	v3 =	vadd.f32 v3, v11  }
0x1d1: {  	s28 =	sor.u32 s22, s6;
	v22 =	vld [tilespmem:s2+$0x15400];
	v4 =	vmul.f32 $2.771281240e+01, v4  }
0x1d2: {  	s9 =	sor.u32 s19, s28;
	v5 =	vmul.f32 $2.771281240e+01, v5;
	[tilespmem:s20+$0x15400] =	vst v3;
	v3 =	vld [tilespmem:s20+$0xC400]  }
0x1d3: {  	v23 =	vld [tilespmem:s9+$0xC400];
	v6 =	vmul.f32 $2.771281240e+01, v6;
	v4 =	vadd.f32 v4, v19  }
0x1d4: {  	v25 =	vld [tilespmem:s9+$0xF400];
	v7 =	vmul.f32 $2.771281240e+01, v7;
	v8 =	vmul.f32 $2.771281240e+01, v8;
	v5 =	vadd.f32 v5, v19  }
0x1d5: {  	s31 =	sor.u32 s14, s6;
	v63 =	vld [tilespmem:s9+$0x12400];
	v13 =	vmul.f32 $2.771281240e+01, v13;
	v6 =	vadd.f32 v6, v19;
	[tilespmem:s17+$0xC400] =	vst v4  }
0x1d6: {  	s8 =	sor.u32 s19, s31;
	v26 =	vmul.f32 $2.771281240e+01, v18;
	v8 =	vadd.f32 v8, v20;
	v4 =	vadd.f32 v7, v19;
	v7 =	vld [tilespmem:s9+$0x15400];
	[tilespmem:s17+$0xF400] =	vst v5  }
0x1d7: {  	v5 =	vmul.f32 $2.771281240e+01, v9;
	v9 =	vld [tilespmem:s8+$0xC400];
	[tilespmem:s17+$0x12400] =	vst v6;
	v3 =	vmul.f32 $2.771281240e+01, v3  }
0x1d8: {  	v18 =	vadd.f32 v13, v21;
	v6 =	vmul.f32 $2.771281240e+01, v10;
	v10 =	vmul.f32 $2.771281240e+01, v12;
	v12 =	vld [tilespmem:s8+$0xF400];
	[tilespmem:s18+$0xC400] =	vst v8  }
0x1d9: {  	s6 =	sor.u32 s10, s6;
	[tilespmem:s17+$0x15400] =	vst v4;
	v4 =	vadd.f32 v5, v20;
	v24 =	vadd.f32 v3, v11;
	v3 =	vld [tilespmem:s2+$0x1B400]  }
0x1da: {  	v14 =	vmul.f32 $2.771281240e+01, v14;
	[tilespmem:s7+$0xC400] =	vst v18;
	v5 =	vmul.f32 $2.771281240e+01, v15;
	s17 =	sor.u32 s19, s6;
	v6 =	vadd.f32 v6, v20;
	v15 =	vld [tilespmem:s8+$0x15400]  }
0x1db: {  	v17 =	vmul.f32 $2.771281240e+01, v17;
	v10 =	vadd.f32 v10, v20;
	v27 =	vld [tilespmem:s17+$0xC400];
	[tilespmem:s18+$0xF400] =	vst v4  }
0x1dc: {  	v19 =	vmul.f32 $2.771281240e+01, v22;
	v22 =	vld [tilespmem:s8+$0x12400];
	v4 =	vmul.f32 $2.771281240e+01, v23;
	v23 =	vadd.f32 v14, v21;
	[tilespmem:s18+$0x12400] =	vst v6  }
0x1dd: {  	v8 =	vmul.f32 $2.771281240e+01, v16;
	v18 =	vadd.f32 v17, v11;
	v16 =	vld [tilespmem:s17+$0xF400];
	v28 =	vadd.f32 v5, v21;
	[tilespmem:s18+$0x15400] =	vst v10  }
0x1de: {  	v13 =	vld [tilespmem:s17+$0x12400];
	v5 =	vmul.f32 $2.771281240e+01, v25;
	v6 =	vmul.f32 $2.771281240e+01, v63;
	[tilespmem:s7+$0xF400] =	vst v23;
	v19 =	vadd.f32 v19, v3  }
0x1df: {  	v17 =	vadd.f32 v26, v11;
	v14 =	vld [tilespmem:s17+$0x15400];
	v10 =	vmul.f32 $2.771281240e+01, v12;
	[tilespmem:s7+$0x12400] =	vst v28;
	v12 =	vmul.f32 $2.771281240e+01, v15  }
0x1e0: {  	v20 =	vld [tilespmem:s2+$0xC400];
	v11 =	vmul.f32 $2.771281240e+01, v27;
	[tilespmem:s2+$0x15400] =	vst v19;
	v19 =	vadd.f32 v8, v21;
	v8 =	vmul.f32 $2.771281240e+01, v7  }
0x1e1: {  	v15 =	vld [tilespmem:s2+$0xF400];
	[tilespmem:s20+$0xC400] =	vst v24;
	v7 =	vmul.f32 $2.771281240e+01, v9;
	v9 =	vmul.f32 $2.771281240e+01, v22  }
.LBB2_10:
0x1e2: {  	s23 =	sadd.s32 $0x40, s23;
	v16 =	vmul.f32 $2.771281240e+01, v16;
	v21 =	vld [tilespmem:s2+$0x12400];
	s16 =	sadd.s32 $0x200, s16;
	[tilespmem:s7+$0x15400] =	vst v19;
	s7 =	smov.u32 s17  }
0x1e3: {  	s6 =	sand.u32 $0x40, s23;
	s17 =	sand.u32 $0x1C00, s16;
	p0 =	slt.u32 s23, $0x2C0;
	v19 =	vld [tilespmem:s9+$0x1B400];
	v13 =	vmul.f32 $2.771281240e+01, v13;
	[tilespmem:s20+$0xF400] =	vst v18  }
0x1e4: {  	s17 =	sadd.s32 s15, s17;
	s18 =	sor.u32 s22, s6;
	s19 =	sor.u32 s5, s6;
	v18 =	vld [tilespmem:s8+$0x1B400];
	v14 =	vmul.f32 $2.771281240e+01, v14;
	[tilespmem:s20+$0x12400] =	vst v17  }
0x1e5: {  	s20 =	sor.u32 s14, s6;
	s6 =	sor.u32 s10, s6;
	s19 =	sor.u32 s17, s19;
	v17 =	vld [tilespmem:s7+$0x1B400];
	v20 =	vmul.f32 $2.771281240e+01, v20  }
0x1e6: {  	s24 =	sor.u32 s17, s18;
	s18 =	sor.u32 s17, s20;
	s17 =	sor.u32 s17, s6;
	v22 =	vld [tilespmem:s19+$0x15400];
	v15 =	vmul.f32 $2.771281240e+01, v15  }
0x1e7: {  	s20 =	smov.u32 s2;
	s2 =	smov.u32 s19;
	v23 =	vld [tilespmem:s24+$0xC400];
	v20 =	vadd.f32 v20, v3;
	v21 =	vmul.f32 $2.771281240e+01, v21  }
0x1e8: {  	v24 =	vld [tilespmem:s2+$0x1B400];
	v4 =	vadd.f32 v4, v19;
	v5 =	vadd.f32 v5, v19  }
0x1e9: {  	v6 =	vadd.f32 v6, v19;
	v8 =	vadd.f32 v8, v19;
	v25 =	vld [tilespmem:s24+$0xF400];
	[tilespmem:s20+$0xC400] =	vst v20  }
0x1ea: {  	v7 =	vadd.f32 v7, v18;
	v10 =	vadd.f32 v10, v18;
	v20 =	vld [tilespmem:s24+$0x12400];
	[tilespmem:s9+$0xC400] =	vst v4  }
0x1eb: {  	v9 =	vadd.f32 v9, v18;
	v12 =	vadd.f32 v12, v18;
	v26 =	vld [tilespmem:s24+$0x15400];
	v19 =	vmul.f32 $2.771281240e+01, v22;
	[tilespmem:s9+$0xF400] =	vst v5  }
0x1ec: {  	v11 =	vadd.f32 v11, v17;
	v4 =	vmul.f32 $2.771281240e+01, v23;
	v22 =	vld [tilespmem:s18+$0xC400];
	[tilespmem:s9+$0x12400] =	vst v6;
	v23 =	vadd.f32 v16, v17  }
0x1ed: {  	v28 =	vadd.f32 v13, v17;
	v27 =	vld [tilespmem:s18+$0xF400];
	v16 =	vadd.f32 v19, v24;
	[tilespmem:s9+$0x15400] =	vst v8;
	s9 =	smov.u32 s24  }
0x1ee: {  	v18 =	vadd.f32 v15, v3;
	v19 =	vadd.f32 v14, v17;
	v5 =	vmul.f32 $2.771281240e+01, v25;
	v25 =	vld [tilespmem:s18+$0x12400];
	[tilespmem:s8+$0xC400] =	vst v7  }
0x1ef: {  	v17 =	vadd.f32 v21, v3;
	v3 =	vmov v24;
	v6 =	vmul.f32 $2.771281240e+01, v20;
	v15 =	vld [tilespmem:s18+$0x15400];
	[tilespmem:s2+$0x15400] =	vst v16  }
0x1f0: {  	v8 =	vmul.f32 $2.771281240e+01, v26;
	v21 =	vld [tilespmem:s17+$0xC400];
	[tilespmem:s8+$0xF400] =	vst v10  }
.Ltmp3:
0x1f1: {  	v7 =	vmul.f32 $2.771281240e+01, v22;
	v16 =	vld [tilespmem:s17+$0xF400];
	[tilespmem:s8+$0x12400] =	vst v9;
	(pc) =	sbr.rel @p0 .LBB2_10-.Ltmp3, $4  }
0x1f2: {  	v10 =	vmul.f32 $2.771281240e+01, v27;
	v13 =	vld [tilespmem:s17+$0x12400];
	[tilespmem:s8+$0x15400] =	vst v12;
	s8 =	smov.u32 s18  }
0x1f3: {  	v9 =	vmul.f32 $2.771281240e+01, v25;
	v14 =	vld [tilespmem:s17+$0x15400];
	[tilespmem:s7+$0xC400] =	vst v11  }
0x1f4: {  	v12 =	vmul.f32 $2.771281240e+01, v15;
	v20 =	vld [tilespmem:s2+$0xC400];
	[tilespmem:s7+$0xF400] =	vst v23  }
0x1f5: {  	v11 =	vmul.f32 $2.771281240e+01, v21;
	v15 =	vld [tilespmem:s2+$0xF400];
	[tilespmem:s7+$0x12400] =	vst v28  }
0x1f6: {  	_ = 	snop  }
0x1f7: {  	v21 =	vld [tilespmem:s9+$0x1B400];
	_ =	sdelay $0x1  }
0x1f8: {  	v20 =	vmul.f32 $2.771281240e+01, v20  }
0x1f9: {  	[tilespmem:s7+$0x15400] =	vst v19  }
0x1fa: {  	[tilespmem:s20+$0xF400] =	vst v18;
	v49 =	vld [tilespmem:s8+$0x1B400];
	v50 =	vadd.f32 v20, v3  }
0x1fb: {  	[tilespmem:s20+$0x12400] =	vst v17;
	v4 =	vadd.f32 v4, v21  }
0x1fc: {  	v5 =	vadd.f32 v5, v21;
	[tilespmem:s2+$0xC400] =	vst v50  }
0x1fd: {  	v6 =	vadd.f32 v6, v21;
	[tilespmem:s9+$0xC400] =	vst v4  }
0x1fe: {  	v52 =	vld [tilespmem:s17+$0x1B400];
	v8 =	vadd.f32 v8, v21;
	[tilespmem:s9+$0xF400] =	vst v5  }
0x1ff: {  	v53 =	vadd.f32 v7, v49;
	[tilespmem:s9+$0x12400] =	vst v6  }
0x200: {  	v54 =	vadd.f32 v10, v49;
	[tilespmem:s9+$0x15400] =	vst v8  }
0x201: {  	v51 =	vld [tilespmem:s2+$0x12400];
	v55 =	vadd.f32 v9, v49;
	[tilespmem:s8+$0xC400] =	vst v53  }
0x202: {  	v61 =	vmul.f32 $2.771281240e+01, v15;
	v57 =	vadd.f32 v12, v49;
	[tilespmem:s8+$0xF400] =	vst v54  }
0x203: {  	v56 =	vmul.f32 $2.771281240e+01, v16;
	v59 =	vadd.f32 v11, v52;
	[tilespmem:s8+$0x12400] =	vst v55  }
0x204: {  	s26 =	sadd.s32 $0x1, s26;
	v58 =	vmul.f32 $2.771281240e+01, v13;
	v63 =	vadd.f32 v61, v3;
	[tilespmem:s8+$0x15400] =	vst v57  }
0x205: {  	p0 =	sne.s32 s26, $0x10;
	v60 =	vmul.f32 $2.771281240e+01, v14;
	v5 =	vadd.f32 v56, v52;
	[tilespmem:s17+$0xC400] =	vst v59  }
.Ltmp4:
0x206: {  	v62 =	vmul.f32 $2.771281240e+01, v51;
	v6 =	vadd.f32 v58, v52;
	[tilespmem:s2+$0xF400] =	vst v63;
	(pc) =	sbr.rel @p0 .LBB2_9-.Ltmp4, $4  }
0x207: {  	v4 =	vadd.f32 v60, v52;
	[tilespmem:s17+$0xF400] =	vst v5  }
0x208: {  	v3 =	vadd.f32 v62, v3;
	[tilespmem:s17+$0x12400] =	vst v6  }
0x209: {  	[tilespmem:s17+$0x15400] =	vst v4  }
0x20a: {  	[tilespmem:s2+$0x12400] =	vst v3  }
0x20b: {  	s2 =	sshrl.u32 s11, $0x3  }
0x20c: {  	s2 =	smul.u32 $0x1800, s2;
	_ =	sdelay $0x1  }
0x20d: {  	s2 =	sshrl.u32 s2, $0x3  }
0x20e: {  	s6 =	simm.s32 $0xC400;
	s25 =	sadd.s32 $0x1, s25;
	s2 =	sadd.s32 s30, s2  }
0x20f: {  	[hbm4b:s2+s4] =	stream.linear.scatter [tilespmem:s6], [sflag:$0x5], $0x3000, $0x38;
	[tilespmem:$0x1E400] =	vst v63  }
0x210: {  	s9 =	simm.s32 $0xF400;
	p0 =	sne.s32 s25, $0x8;
	s5 =	sadd.s32 $0xC0000, s2  }
0x211: {  	[hbm4b:s5+s4] =	stream.linear.scatter [tilespmem:s9], [sflag:$0x6], $0x3000, $0x38;
	[tilespmem:$0x1E400] =	vst v63  }
.Ltmp5:
0x212: {  	_ = 	snop;
	(pc) =	sbr.rel @p0 .LBB2_2-.Ltmp5, $4  }
0x213: {  	s10 =	simm.s32 $0x12400;
	s31 =	sadd.s32 $0x180000, s2  }
0x214: {  	[hbm4b:s31+s4] =	stream.linear.scatter [tilespmem:s10], [sflag:$0x7], $0x3000, $0x38;
	[tilespmem:$0x1E400] =	vst v63  }
0x215: {  	s14 =	simm.s32 $0x15400;
	s2 =	sadd.s32 $0x240000, s2  }
0x216: {  	[hbm4b:s2+s4] =	stream.linear.scatter [tilespmem:s14], [sflag:$0x8], $0x3000, $0x38;
	[tilespmem:$0x1E400] =	vst v63  }
0x217: {  	s2 =	simm.s32 $0x5  }
0x218: {  	_ =	swait.ge [sflag:s2], $0x3000  }
0x219: {  	[sflag:s2] =	ssyncset.done $0x0  }
0x21a: {  	s26 =	simm.s32 $0x6;
	[sflag:s2] =	ssyncadd.s32 $0xFFFFD000  }
0x21b: {  	_ =	swait.ge [sflag:s26], $0x3000  }
0x21c: {  	[sflag:s26] =	ssyncset.done $0x0  }
0x21d: {  	s28 =	simm.s32 $0x7;
	[sflag:s26] =	ssyncadd.s32 $0xFFFFD000  }
0x21e: {  	_ =	swait.ge [sflag:s28], $0x3000  }
0x21f: {  	[sflag:s28] =	ssyncset.done $0x0  }
0x220: {  	s5 =	simm.s32 $0x8;
	[sflag:s28] =	ssyncadd.s32 $0xFFFFD000  }
0x221: {  	_ =	swait.ge [sflag:s5], $0x3000  }
0x222: {  	s7 =	rddreg [dreg:$0x12]  }
0x223: {  	s31 =	rddreg [dreg:$0xc];
	s7 =	sadd.s32 $0x1, s7  }
0x224: {  	p0 =	sne.s32 s7, s31  }
.Ltmp6:
0x225: {  	_ = 	snop;
	(pc) =	sbr.rel @p0 .LBB2_1-.Ltmp6, $3  }
0x226: {  	_ =	sdelay $0x1  }
0x227: {  	[sflag:s5] =	ssyncset.done $0x0  }
0x228: {  	[sflag:s5] =	ssyncadd.s32 $0xFFFFD000  }
0x229: {  	_ =	sfence.sel $0x180000  }
0x22a: {  	[bflag:$0x0] =	sbarrier.arrive $0xFFFF  }
0x22b: {  	_ =	strace $0x90000047  }
0x22c: {  	s0 =	stileid.u32;
	[bflag:$0x2] =	sbarrier.arrive $0xFFFF  }
0x22d: {  	p0 =	sne.s32 s0, $0x0;
	s0 =	rddreg [dreg:$0x4]  }
0x22e: {  	s0 =	sadd.s32 @!p0 $0x100000, s0  }
0x22f: {  	[sflag:s0] =	ssyncadd.tile.s32 @!p0 $0x1;
	_ =	shalt  }
.Lfunc_end2:
_tile_overlayer_lowered:
.L_overlay_start_2:
0x230: {  	(tag) =	ssettag $0x2  }
0x231: {  	s0 =	rddreg [dreg:$0x0];
	s2 =	stileid.u32  }
0x232: {  	s1 =	rddreg [dreg:$0x1];
	p0 =	sne.s32 s2, $0x0  }
0x233: {  	s3 =	rddreg [dreg:$0x2];
	[bflag:$0x3] =	sbarrier.arrive $0xFFFF;
	s2 =	simm.s32 @!p0 $0x1C0B  }
0x234: {  	[timem:s3], [sflag:s2] =	dma.local @!p0 [hbm:s0], s1  }
0x235: {  	s0 =	simm.s32 @!p0 $0xB  }
0x236: {  	_ =	swait.ge @!p0 [sflag:s0], s1  }
0x237: {  	s1 =	ssub.s32 @!p0 $0x0, s1;
	[sflag:s0] =	ssyncset.done @!p0 $0x0  }
0x238: {  	[sflag:s0] =	ssyncadd.s32 @!p0 s1  }
0x239: {  	[bflag:$0x3] =	sbarrier.arrive $0xFFFF  }
0x23a: {  	_ =	shalt  }

</sc_bundles>
